<compile_context>
chip_gen: v7x
topology: tpu7x:2x2x1
jax: 0.10.2.dev20260603
libtpu: 0.0.44.dev20260713+nightly
codegen_flags: <defaults>
</compile_context>

<pallas_src>
import functools

import jax
import jax.numpy as jnp
from jax import lax
from jax.experimental import pallas as pl
from jax.experimental.pallas import tpu as pltpu
from jax.experimental.pallas import tpu_sc as plsc

_TOPK = 8
_E = 64
_ROWS = 16384
_D = 2048
_RDIM = 16

_NCHUNK = 1
_CROWS = _ROWS // _NCHUNK
_NW = 32
_RPW = _CROWS // _NW
_BLK = _RPW
_GRP = 1
_CCH = 16
_LANES = 16


def _tc_scores_body(x_ref, w_ref, k_ref, s_ref, st_ref):
    xb = x_ref[...]
    w = w_ref[...]
    q = lax.dot_general(xb, w, (((1,), (1,)), ((), ())),
                        preferred_element_type=jnp.float32)
    qn = q * lax.rsqrt(jnp.maximum(jnp.sum(q * q, axis=-1, keepdims=True),
                                   1e-24))
    keys = k_ref[...]
    kn = keys * lax.rsqrt(
        jnp.maximum(jnp.sum(keys * keys, axis=-1, keepdims=True), 1e-24))
    s_ref[...] = lax.dot_general(qn, kn, (((1,), (1,)), ((), ())),
                                 preferred_element_type=jnp.float32)
    st_ref[...] = lax.dot_general(kn, qn, (((1,), (1,)), ((), ())),
                                  preferred_element_type=jnp.float32)[None]


def _tc_scores(x, W_query, keys):
    return pl.pallas_call(
        _tc_scores_body,
        grid=(_CROWS // _BLK,),
        in_specs=[
            pl.BlockSpec((_BLK, _D), lambda i: (i, 0)),
            pl.BlockSpec((_RDIM, _D), lambda i: (0, 0)),
            pl.BlockSpec((_E, _RDIM), lambda i: (0, 0)),
        ],
        out_specs=[
            pl.BlockSpec((_BLK, _E), lambda i: (i, 0)),
            pl.BlockSpec((1, _E, _BLK), lambda i: (i, 0, 0)),
        ],
        out_shape=[
            jax.ShapeDtypeStruct((_CROWS, _E), jnp.float32),
            jax.ShapeDtypeStruct((_NW, _E, _BLK), jnp.float32),
        ],
        compiler_params=pltpu.CompilerParams(
            dimension_semantics=("arbitrary",)),
    )(x, W_query, keys)


def _sc_topk_body(st_hbm, idx_hbm, p_hbm, sbuf, ibuf, pbuf):
    cid = lax.axis_index("c")
    sid = lax.axis_index("s")
    wid = sid * 2 + cid
    pltpu.sync_copy(st_hbm.at[wid], sbuf)

    lane = lax.iota(jnp.int32, _LANES)

    def group_step(i, carry):
        for g in range(_GRP):
            roff = i * (_LANES * _GRP) + g * _LANES
            row = roff + lane
            orow = row * _TOPK
            vals = [jnp.full((_LANES,), -jnp.inf, jnp.float32)
                    for _ in range(_TOPK)]
            idxs = [jnp.zeros((_LANES,), jnp.int32) for _ in range(_TOPK)]
            zero = jnp.zeros((_LANES,), jnp.int32)

            def col_chunk(cc, carry):
                vals = list(carry[:_TOPK])
                idxs = list(carry[_TOPK:])
                for j in range(_CCH):
                    v = sbuf[cc * _CCH + j, pl.ds(roff, _LANES)]
                    vi = zero + (cc * _CCH + j)
                    for t in range(_TOPK):
                        m = v > vals[t]
                        new_val = jnp.maximum(v, vals[t])
                        v = jnp.minimum(v, vals[t])
                        vals[t] = new_val
                        new_idx = jnp.where(m, vi, idxs[t])
                        vi = jnp.where(m, idxs[t], vi)
                        idxs[t] = new_idx
                return tuple(vals) + tuple(idxs)

            res = lax.fori_loop(0, _E // _CCH, col_chunk,
                                tuple(vals) + tuple(idxs))
            vals = list(res[:_TOPK])
            idxs = list(res[_TOPK:])
            es = [jnp.exp(vt - vals[0]) for vt in vals]
            tot = es[0]
            for t in range(1, _TOPK):
                tot = tot + es[t]
            rcp = 1.0 / tot
            for t in range(_TOPK):
                plsc.store_scatter(pbuf, [orow + t], es[t] * rcp)
                plsc.store_scatter(ibuf, [orow + t], idxs[t])
        return carry

    lax.fori_loop(0, _RPW // (_LANES * _GRP), group_step, 0)
    obase = wid * (_RPW * _TOPK)
    pltpu.sync_copy(ibuf, idx_hbm.at[pl.ds(obase, _RPW * _TOPK)])
    pltpu.sync_copy(pbuf, p_hbm.at[pl.ds(obase, _RPW * _TOPK)])


def _sc_topk(scores_t):
    f = functools.partial(
        pl.kernel,
        mesh=plsc.VectorSubcoreMesh(core_axis_name="c", subcore_axis_name="s"),
        compiler_params=pltpu.CompilerParams(needs_layout_passes=False),
        out_type=[
            jax.ShapeDtypeStruct((_CROWS * _TOPK,), jnp.int32),
            jax.ShapeDtypeStruct((_CROWS * _TOPK,), jnp.float32),
        ],
        scratch_types=[
            pltpu.VMEM((_E, _RPW), jnp.float32),
            pltpu.VMEM((_RPW * _TOPK,), jnp.int32),
            pltpu.VMEM((_RPW * _TOPK,), jnp.float32),
        ],
    )(_sc_topk_body)
    idx, p = f(scores_t)
    return (idx.reshape(_CROWS, _TOPK), p.reshape(_CROWS, _TOPK))


@jax.jit
def kernel(x, W_query, keys):
    scores_chunks, idx_chunks, p_chunks = [], [], []
    for c in range(_NCHUNK):
        xc = lax.slice_in_dim(x, c * _CROWS, (c + 1) * _CROWS, axis=0)
        scores_c, scores_t_c = _tc_scores(xc, W_query, keys)
        idx_c, p_c = _sc_topk(scores_t_c)
        scores_chunks.append(scores_c)
        idx_chunks.append(idx_c)
        p_chunks.append(p_c)
    scores = jnp.concatenate(scores_chunks, axis=0)
    idx = jnp.concatenate(idx_chunks, axis=0)
    probs = jnp.concatenate(p_chunks, axis=0)
    return (idx, probs, scores)

# --- scband reference (transcript-rebuilt; emitter-appended) ---
"""Pipeline reference for scband-cosine-router-9620726743475 (READ-ONLY COPY).

The authoritative reference and input builder live on the scoring server;
editing this copy changes nothing except your own understanding.
"""

import jax, jax.numpy as jnp
import numpy as np

TOP_K = 8

def _l2_normalize(v, axis=-1, eps=1e-12):
    n = jnp.linalg.norm(v, axis=axis, keepdims=True)
    return v / jnp.maximum(n, eps)

def setup_inputs(seed: int = 0) -> dict:
    key = jax.random.key(seed)
    k1, k2, k3 = jax.random.split(key, 3)
    x = jax.random.normal(k1, (16384, 2048), dtype=jnp.float32)
    # nn.Linear(d=2048, router_dim=16, bias=False): weight shape [router_dim, d]
    W_query = jax.random.normal(k2, (16, 2048), dtype=jnp.float32) * (1.0 / np.sqrt(2048))
    # nn.Parameter(torch.randn(num_experts, router_dim) * 0.01)
    keys = jax.random.normal(k3, (64, 16), dtype=jnp.float32) * 0.01
    return {"x": x, "W_query": W_query, "keys": keys}

def reference(x, W_query, keys):
    # q = F.normalize(self.W_query(x), dim=-1)
    q = _l2_normalize(jnp.matmul(x, W_query.T), axis=-1)
    # k = F.normalize(self.keys, dim=-1)
    k = _l2_normalize(keys, axis=-1)
    # scores = q @ k.T
    scores = jnp.matmul(q, k.T)
    # topk_vals, topk_idx = torch.topk(scores, top_k, dim=-1)
    topk_vals, topk_idx = jax.lax.top_k(scores, TOP_K)
    probs = jax.nn.softmax(topk_vals, axis=-1)
    return (topk_idx, probs, scores)

if __name__ == "__main__":
    import jax
    _d = setup_inputs()
    print(jax.jit(kernel)(*tuple(_d.values())))

</pallas_src>

<mosaic_0001>
#map = affine_map<(d0, d1) -> (0, 0, 0)>
#map1 = affine_map<(d0, d1) -> (0)>
module attributes {stable_mosaic.version = 14 : i64} {
  func.func @_sc_topk_body(%arg0: i32, %arg1: i32, %arg2: memref<32x64x512xf32, #tpu.memory_space<hbm>>, %arg3: memref<131072xi32, #tpu.memory_space<hbm>>, %arg4: memref<131072xf32, #tpu.memory_space<hbm>>, %arg5: memref<64x512xf32, #tpu.memory_space<vmem>>, %arg6: memref<4096xi32, #tpu.memory_space<vmem>>, %arg7: memref<4096xf32, #tpu.memory_space<vmem>>) attributes {dimension_semantics = [#tpu.dimension_semantics<core_parallel>, #tpu.dimension_semantics<subcore_parallel>], iteration_bounds = array<i64: 2, 16>, scalar_prefetch = 0 : i64, scratch_operands = 3 : i64, tpu.core_type = #tpu.core_type<sc_vector_subcore>, window_params = [{transform_indices = #map}, {transform_indices = #map1}, {transform_indices = #map1}]} {
    %mul3A = arith.constant 2 : i32
    %mul3A_0 = arith.muli %arg1, %mul3A : i32
    %add3A = arith.addi %mul3A_0, %arg0 : i32
    "tpu.region"() ({
      %run_scoped3A = tpu.sem_alloc : memref<!tpu.dma_semaphore, #tpu.memory_space<semaphore_mem>>
      %dma_start3A = arith.constant 0 : i32
      %dma_start3A_8 = arith.constant 0 : i32
      %dma_start3A_9 = tpu.memref_slice %arg2[%add3A, %dma_start3A, %dma_start3A_8] : memref<32x64x512xf32, #tpu.memory_space<hbm>> -> memref<1x64x512xf32, #tpu.memory_space<hbm>>
      %dma_start3A_10 = tpu.memref_squeeze %dma_start3A_9 : memref<1x64x512xf32, #tpu.memory_space<hbm>> -> memref<64x512xf32, #tpu.memory_space<hbm>>
      %dma_start3A_11 = arith.constant 0 : i32
      %dma_start3A_12 = arith.constant 0 : i32
      %dma_start3A_13 = tpu.memref_slice %arg2[%add3A, %dma_start3A_11, %dma_start3A_12] : memref<32x64x512xf32, #tpu.memory_space<hbm>> -> memref<1x64x512xf32, #tpu.memory_space<hbm>>
      %dma_start3A_14 = tpu.memref_squeeze %dma_start3A_13 : memref<1x64x512xf32, #tpu.memory_space<hbm>> -> memref<64x512xf32, #tpu.memory_space<hbm>>
      tpu.enqueue_dma source(%dma_start3A_14 : memref<64x512xf32, #tpu.memory_space<hbm>>) target(%arg5 : memref<64x512xf32, #tpu.memory_space<vmem>>) target_semaphore(%run_scoped3A : memref<!tpu.dma_semaphore, #tpu.memory_space<semaphore_mem>>)
      %dma_wait3A = arith.constant 0 : i32
      %dma_wait3A_15 = arith.constant 0 : i32
      %dma_wait3A_16 = tpu.memref_slice %arg2[%add3A, %dma_wait3A, %dma_wait3A_15] : memref<32x64x512xf32, #tpu.memory_space<hbm>> -> memref<1x64x512xf32, #tpu.memory_space<hbm>>
      %dma_wait3A_17 = tpu.memref_squeeze %dma_wait3A_16 : memref<1x64x512xf32, #tpu.memory_space<hbm>> -> memref<64x512xf32, #tpu.memory_space<hbm>>
      %dma_wait3A_18 = arith.constant 0 : i32
      %dma_wait3A_19 = arith.constant 0 : i32
      %dma_wait3A_20 = tpu.memref_slice %arg2[%add3A, %dma_wait3A_18, %dma_wait3A_19] : memref<32x64x512xf32, #tpu.memory_space<hbm>> -> memref<1x64x512xf32, #tpu.memory_space<hbm>>
      %dma_wait3A_21 = tpu.memref_squeeze %dma_wait3A_20 : memref<1x64x512xf32, #tpu.memory_space<hbm>> -> memref<64x512xf32, #tpu.memory_space<hbm>>
      tpu.wait_dma2 semaphore(%run_scoped3A : memref<!tpu.dma_semaphore, #tpu.memory_space<semaphore_mem>>) src(%dma_wait3A_21 : memref<64x512xf32, #tpu.memory_space<hbm>>) dst(%arg5 : memref<64x512xf32, #tpu.memory_space<vmem>>)
      tpu.yield
    }) : () -> ()
    %iota3A = tpu.iota {dimensions = array<i32: 0>} : vector<16xi32>
    %scan3A = arith.constant 0 : i32
    %scan3A_1 = arith.constant 0 : i32
    %scan3A_2 = arith.constant 32 : i32
    %scan3A_3 = arith.addi %scan3A_1, %scan3A_2 : i32
    %scan3A_4 = arith.constant 1 : i32
    scf.for %scan3A_8 = %scan3A_1 to %scan3A_3 step %scan3A_4  : i32 {
      %mul3A_9 = arith.constant 16 : i32
      %mul3A_10 = arith.muli %scan3A_8, %mul3A_9 : i32
      %add3A_11 = arith.constant 0 : i32
      %add3A_12 = arith.addi %mul3A_10, %add3A_11 : i32
      %add3A_13 = vector.broadcast %add3A_12 : i32 to vector<16xi32>
      %add3A_14 = arith.addi %add3A_13, %iota3A : vector<16xi32>
      %mul3A_15 = arith.constant 8 : i32
      %mul3A_16 = vector.broadcast %mul3A_15 : i32 to vector<16xi32>
      %mul3A_17 = arith.muli %add3A_14, %mul3A_16 : vector<16xi32>
      %broadcast_in_dim3A = arith.constant 0xFF800000 : f32
      %broadcast_in_dim3A_18 = vector.broadcast %broadcast_in_dim3A : f32 to vector<16xf32>
      %broadcast_in_dim3A_19 = arith.constant 0xFF800000 : f32
      %broadcast_in_dim3A_20 = vector.broadcast %broadcast_in_dim3A_19 : f32 to vector<16xf32>
      %broadcast_in_dim3A_21 = arith.constant 0xFF800000 : f32
      %broadcast_in_dim3A_22 = vector.broadcast %broadcast_in_dim3A_21 : f32 to vector<16xf32>
      %broadcast_in_dim3A_23 = arith.constant 0xFF800000 : f32
      %broadcast_in_dim3A_24 = vector.broadcast %broadcast_in_dim3A_23 : f32 to vector<16xf32>
      %broadcast_in_dim3A_25 = arith.constant 0xFF800000 : f32
      %broadcast_in_dim3A_26 = vector.broadcast %broadcast_in_dim3A_25 : f32 to vector<16xf32>
      %broadcast_in_dim3A_27 = arith.constant 0xFF800000 : f32
      %broadcast_in_dim3A_28 = vector.broadcast %broadcast_in_dim3A_27 : f32 to vector<16xf32>
      %broadcast_in_dim3A_29 = arith.constant 0xFF800000 : f32
      %broadcast_in_dim3A_30 = vector.broadcast %broadcast_in_dim3A_29 : f32 to vector<16xf32>
      %broadcast_in_dim3A_31 = arith.constant 0xFF800000 : f32
      %broadcast_in_dim3A_32 = vector.broadcast %broadcast_in_dim3A_31 : f32 to vector<16xf32>
      %broadcast_in_dim3A_33 = arith.constant 0 : i32
      %broadcast_in_dim3A_34 = vector.broadcast %broadcast_in_dim3A_33 : i32 to vector<16xi32>
      %broadcast_in_dim3A_35 = arith.constant 0 : i32
      %broadcast_in_dim3A_36 = vector.broadcast %broadcast_in_dim3A_35 : i32 to vector<16xi32>
      %broadcast_in_dim3A_37 = arith.constant 0 : i32
      %broadcast_in_dim3A_38 = vector.broadcast %broadcast_in_dim3A_37 : i32 to vector<16xi32>
      %broadcast_in_dim3A_39 = arith.constant 0 : i32
      %broadcast_in_dim3A_40 = vector.broadcast %broadcast_in_dim3A_39 : i32 to vector<16xi32>
      %broadcast_in_dim3A_41 = arith.constant 0 : i32
      %broadcast_in_dim3A_42 = vector.broadcast %broadcast_in_dim3A_41 : i32 to vector<16xi32>
      %broadcast_in_dim3A_43 = arith.constant 0 : i32
      %broadcast_in_dim3A_44 = vector.broadcast %broadcast_in_dim3A_43 : i32 to vector<16xi32>
      %broadcast_in_dim3A_45 = arith.constant 0 : i32
      %broadcast_in_dim3A_46 = vector.broadcast %broadcast_in_dim3A_45 : i32 to vector<16xi32>
      %broadcast_in_dim3A_47 = arith.constant 0 : i32
      %broadcast_in_dim3A_48 = vector.broadcast %broadcast_in_dim3A_47 : i32 to vector<16xi32>
      %broadcast_in_dim3A_49 = arith.constant 0 : i32
      %broadcast_in_dim3A_50 = vector.broadcast %broadcast_in_dim3A_49 : i32 to vector<16xi32>
      %scan3A_51 = arith.constant 0 : i32
      %scan3A_52 = arith.constant 4 : i32
      %scan3A_53 = arith.addi %scan3A_51, %scan3A_52 : i32
      %scan3A_54 = arith.constant 1 : i32
      %scan3A_55:16 = scf.for %scan3A_136 = %scan3A_51 to %scan3A_53 step %scan3A_54 iter_args(%scan3A_137 = %broadcast_in_dim3A_18, %scan3A_138 = %broadcast_in_dim3A_20, %scan3A_139 = %broadcast_in_dim3A_22, %scan3A_140 = %broadcast_in_dim3A_24, %scan3A_141 = %broadcast_in_dim3A_26, %scan3A_142 = %broadcast_in_dim3A_28, %scan3A_143 = %broadcast_in_dim3A_30, %scan3A_144 = %broadcast_in_dim3A_32, %scan3A_145 = %broadcast_in_dim3A_34, %scan3A_146 = %broadcast_in_dim3A_36, %scan3A_147 = %broadcast_in_dim3A_38, %scan3A_148 = %broadcast_in_dim3A_40, %scan3A_149 = %broadcast_in_dim3A_42, %scan3A_150 = %broadcast_in_dim3A_44, %scan3A_151 = %broadcast_in_dim3A_46, %scan3A_152 = %broadcast_in_dim3A_48) -> (vector<16xf32>, vector<16xf32>, vector<16xf32>, vector<16xf32>, vector<16xf32>, vector<16xf32>, vector<16xf32>, vector<16xf32>, vector<16xi32>, vector<16xi32>, vector<16xi32>, vector<16xi32>, vector<16xi32>, vector<16xi32>, vector<16xi32>, vector<16xi32>)  : i32 {
        %mul3A_153 = arith.constant 16 : i32
        %mul3A_154 = arith.muli %scan3A_136, %mul3A_153 : i32
        %add3A_155 = arith.constant 0 : i32
        %add3A_156 = arith.addi %mul3A_154, %add3A_155 : i32
        %get3A = arith.index_cast %add3A_156 : i32 to index
        %get3A_157 = arith.index_cast %add3A_12 : i32 to index
        %get3A_158 = tpu.vector_load %arg5[%get3A, %get3A_157] {strides = array<i32>} : memref<64x512xf32, #tpu.memory_space<vmem>>, vector<16xf32>,
        %mul3A_159 = arith.constant 16 : i32
        %mul3A_160 = arith.muli %scan3A_136, %mul3A_159 : i32
        %add3A_161 = arith.constant 0 : i32
        %add3A_162 = arith.addi %mul3A_160, %add3A_161 : i32
        %add3A_163 = vector.broadcast %add3A_162 : i32 to vector<16xi32>
        %add3A_164 = arith.addi %broadcast_in_dim3A_50, %add3A_163 : vector<16xi32>
        %gt3A = arith.cmpf ogt, %get3A_158, %scan3A_137 : vector<16xf32>
        %max3A = arith.maximumf %get3A_158, %scan3A_137 : vector<16xf32>
        %min3A = arith.minimumf %get3A_158, %scan3A_137 : vector<16xf32>
        %select_n3A = arith.select %gt3A, %add3A_164, %scan3A_145 : vector<16xi1>, vector<16xi32>
        %select_n3A_165 = arith.select %gt3A, %scan3A_145, %add3A_164 : vector<16xi1>, vector<16xi32>
        %gt3A_166 = arith.cmpf ogt, %min3A, %scan3A_138 : vector<16xf32>
        %max3A_167 = arith.maximumf %min3A, %scan3A_138 : vector<16xf32>
        %min3A_168 = arith.minimumf %min3A, %scan3A_138 : vector<16xf32>
        %select_n3A_169 = arith.select %gt3A_166, %select_n3A_165, %scan3A_146 : vector<16xi1>, vector<16xi32>
        %select_n3A_170 = arith.select %gt3A_166, %scan3A_146, %select_n3A_165 : vector<16xi1>, vector<16xi32>
        %gt3A_171 = arith.cmpf ogt, %min3A_168, %scan3A_139 : vector<16xf32>
        %max3A_172 = arith.maximumf %min3A_168, %scan3A_139 : vector<16xf32>
        %min3A_173 = arith.minimumf %min3A_168, %scan3A_139 : vector<16xf32>
        %select_n3A_174 = arith.select %gt3A_171, %select_n3A_170, %scan3A_147 : vector<16xi1>, vector<16xi32>
        %select_n3A_175 = arith.select %gt3A_171, %scan3A_147, %select_n3A_170 : vector<16xi1>, vector<16xi32>
        %gt3A_176 = arith.cmpf ogt, %min3A_173, %scan3A_140 : vector<16xf32>
        %max3A_177 = arith.maximumf %min3A_173, %scan3A_140 : vector<16xf32>
        %min3A_178 = arith.minimumf %min3A_173, %scan3A_140 : vector<16xf32>
        %select_n3A_179 = arith.select %gt3A_176, %select_n3A_175, %scan3A_148 : vector<16xi1>, vector<16xi32>
        %select_n3A_180 = arith.select %gt3A_176, %scan3A_148, %select_n3A_175 : vector<16xi1>, vector<16xi32>
        %gt3A_181 = arith.cmpf ogt, %min3A_178, %scan3A_141 : vector<16xf32>
        %max3A_182 = arith.maximumf %min3A_178, %scan3A_141 : vector<16xf32>
        %min3A_183 = arith.minimumf %min3A_178, %scan3A_141 : vector<16xf32>
        %select_n3A_184 = arith.select %gt3A_181, %select_n3A_180, %scan3A_149 : vector<16xi1>, vector<16xi32>
        %select_n3A_185 = arith.select %gt3A_181, %scan3A_149, %select_n3A_180 : vector<16xi1>, vector<16xi32>
        %gt3A_186 = arith.cmpf ogt, %min3A_183, %scan3A_142 : vector<16xf32>
        %max3A_187 = arith.maximumf %min3A_183, %scan3A_142 : vector<16xf32>
        %min3A_188 = arith.minimumf %min3A_183, %scan3A_142 : vector<16xf32>
        %select_n3A_189 = arith.select %gt3A_186, %select_n3A_185, %scan3A_150 : vector<16xi1>, vector<16xi32>
        %select_n3A_190 = arith.select %gt3A_186, %scan3A_150, %select_n3A_185 : vector<16xi1>, vector<16xi32>
        %gt3A_191 = arith.cmpf ogt, %min3A_188, %scan3A_143 : vector<16xf32>
        %max3A_192 = arith.maximumf %min3A_188, %scan3A_143 : vector<16xf32>
        %min3A_193 = arith.minimumf %min3A_188, %scan3A_143 : vector<16xf32>
        %select_n3A_194 = arith.select %gt3A_191, %select_n3A_190, %scan3A_151 : vector<16xi1>, vector<16xi32>
        %select_n3A_195 = arith.select %gt3A_191, %scan3A_151, %select_n3A_190 : vector<16xi1>, vector<16xi32>
        %gt3A_196 = arith.cmpf ogt, %min3A_193, %scan3A_144 : vector<16xf32>
        %max3A_197 = arith.maximumf %min3A_193, %scan3A_144 : vector<16xf32>
        %min3A_198 = arith.minimumf %min3A_193, %scan3A_144 : vector<16xf32>
        %select_n3A_199 = arith.select %gt3A_196, %select_n3A_195, %scan3A_152 : vector<16xi1>, vector<16xi32>
        %select_n3A_200 = arith.select %gt3A_196, %scan3A_152, %select_n3A_195 : vector<16xi1>, vector<16xi32>
        %mul3A_201 = arith.constant 16 : i32
        %mul3A_202 = arith.muli %scan3A_136, %mul3A_201 : i32
        %add3A_203 = arith.constant 1 : i32
        %add3A_204 = arith.addi %mul3A_202, %add3A_203 : i32
        %get3A_205 = arith.index_cast %add3A_204 : i32 to index
        %get3A_206 = arith.index_cast %add3A_12 : i32 to index
        %get3A_207 = tpu.vector_load %arg5[%get3A_205, %get3A_206] {strides = array<i32>} : memref<64x512xf32, #tpu.memory_space<vmem>>, vector<16xf32>,
        %mul3A_208 = arith.constant 16 : i32
        %mul3A_209 = arith.muli %scan3A_136, %mul3A_208 : i32
        %add3A_210 = arith.constant 1 : i32
        %add3A_211 = arith.addi %mul3A_209, %add3A_210 : i32
        %add3A_212 = vector.broadcast %add3A_211 : i32 to vector<16xi32>
        %add3A_213 = arith.addi %broadcast_in_dim3A_50, %add3A_212 : vector<16xi32>
        %gt3A_214 = arith.cmpf ogt, %get3A_207, %max3A : vector<16xf32>
        %max3A_215 = arith.maximumf %get3A_207, %max3A : vector<16xf32>
        %min3A_216 = arith.minimumf %get3A_207, %max3A : vector<16xf32>
        %select_n3A_217 = arith.select %gt3A_214, %add3A_213, %select_n3A : vector<16xi1>, vector<16xi32>
        %select_n3A_218 = arith.select %gt3A_214, %select_n3A, %add3A_213 : vector<16xi1>, vector<16xi32>
        %gt3A_219 = arith.cmpf ogt, %min3A_216, %max3A_167 : vector<16xf32>
        %max3A_220 = arith.maximumf %min3A_216, %max3A_167 : vector<16xf32>
        %min3A_221 = arith.minimumf %min3A_216, %max3A_167 : vector<16xf32>
        %select_n3A_222 = arith.select %gt3A_219, %select_n3A_218, %select_n3A_169 : vector<16xi1>, vector<16xi32>
        %select_n3A_223 = arith.select %gt3A_219, %select_n3A_169, %select_n3A_218 : vector<16xi1>, vector<16xi32>
        %gt3A_224 = arith.cmpf ogt, %min3A_221, %max3A_172 : vector<16xf32>
        %max3A_225 = arith.maximumf %min3A_221, %max3A_172 : vector<16xf32>
        %min3A_226 = arith.minimumf %min3A_221, %max3A_172 : vector<16xf32>
        %select_n3A_227 = arith.select %gt3A_224, %select_n3A_223, %select_n3A_174 : vector<16xi1>, vector<16xi32>
        %select_n3A_228 = arith.select %gt3A_224, %select_n3A_174, %select_n3A_223 : vector<16xi1>, vector<16xi32>
        %gt3A_229 = arith.cmpf ogt, %min3A_226, %max3A_177 : vector<16xf32>
        %max3A_230 = arith.maximumf %min3A_226, %max3A_177 : vector<16xf32>
        %min3A_231 = arith.minimumf %min3A_226, %max3A_177 : vector<16xf32>
        %select_n3A_232 = arith.select %gt3A_229, %select_n3A_228, %select_n3A_179 : vector<16xi1>, vector<16xi32>
        %select_n3A_233 = arith.select %gt3A_229, %select_n3A_179, %select_n3A_228 : vector<16xi1>, vector<16xi32>
        %gt3A_234 = arith.cmpf ogt, %min3A_231, %max3A_182 : vector<16xf32>
        %max3A_235 = arith.maximumf %min3A_231, %max3A_182 : vector<16xf32>
        %min3A_236 = arith.minimumf %min3A_231, %max3A_182 : vector<16xf32>
        %select_n3A_237 = arith.select %gt3A_234, %select_n3A_233, %select_n3A_184 : vector<16xi1>, vector<16xi32>
        %select_n3A_238 = arith.select %gt3A_234, %select_n3A_184, %select_n3A_233 : vector<16xi1>, vector<16xi32>
        %gt3A_239 = arith.cmpf ogt, %min3A_236, %max3A_187 : vector<16xf32>
        %max3A_240 = arith.maximumf %min3A_236, %max3A_187 : vector<16xf32>
        %min3A_241 = arith.minimumf %min3A_236, %max3A_187 : vector<16xf32>
        %select_n3A_242 = arith.select %gt3A_239, %select_n3A_238, %select_n3A_189 : vector<16xi1>, vector<16xi32>
        %select_n3A_243 = arith.select %gt3A_239, %select_n3A_189, %select_n3A_238 : vector<16xi1>, vector<16xi32>
        %gt3A_244 = arith.cmpf ogt, %min3A_241, %max3A_192 : vector<16xf32>
        %max3A_245 = arith.maximumf %min3A_241, %max3A_192 : vector<16xf32>
        %min3A_246 = arith.minimumf %min3A_241, %max3A_192 : vector<16xf32>
        %select_n3A_247 = arith.select %gt3A_244, %select_n3A_243, %select_n3A_194 : vector<16xi1>, vector<16xi32>
        %select_n3A_248 = arith.select %gt3A_244, %select_n3A_194, %select_n3A_243 : vector<16xi1>, vector<16xi32>
        %gt3A_249 = arith.cmpf ogt, %min3A_246, %max3A_197 : vector<16xf32>
        %max3A_250 = arith.maximumf %min3A_246, %max3A_197 : vector<16xf32>
        %min3A_251 = arith.minimumf %min3A_246, %max3A_197 : vector<16xf32>
        %select_n3A_252 = arith.select %gt3A_249, %select_n3A_248, %select_n3A_199 : vector<16xi1>, vector<16xi32>
        %select_n3A_253 = arith.select %gt3A_249, %select_n3A_199, %select_n3A_248 : vector<16xi1>, vector<16xi32>
        %mul3A_254 = arith.constant 16 : i32
        %mul3A_255 = arith.muli %scan3A_136, %mul3A_254 : i32
        %add3A_256 = arith.constant 2 : i32
        %add3A_257 = arith.addi %mul3A_255, %add3A_256 : i32
        %get3A_258 = arith.index_cast %add3A_257 : i32 to index
        %get3A_259 = arith.index_cast %add3A_12 : i32 to index
        %get3A_260 = tpu.vector_load %arg5[%get3A_258, %get3A_259] {strides = array<i32>} : memref<64x512xf32, #tpu.memory_space<vmem>>, vector<16xf32>,
        %mul3A_261 = arith.constant 16 : i32
        %mul3A_262 = arith.muli %scan3A_136, %mul3A_261 : i32
        %add3A_263 = arith.constant 2 : i32
        %add3A_264 = arith.addi %mul3A_262, %add3A_263 : i32
        %add3A_265 = vector.broadcast %add3A_264 : i32 to vector<16xi32>
        %add3A_266 = arith.addi %broadcast_in_dim3A_50, %add3A_265 : vector<16xi32>
        %gt3A_267 = arith.cmpf ogt, %get3A_260, %max3A_215 : vector<16xf32>
        %max3A_268 = arith.maximumf %get3A_260, %max3A_215 : vector<16xf32>
        %min3A_269 = arith.minimumf %get3A_260, %max3A_215 : vector<16xf32>
        %select_n3A_270 = arith.select %gt3A_267, %add3A_266, %select_n3A_217 : vector<16xi1>, vector<16xi32>
        %select_n3A_271 = arith.select %gt3A_267, %select_n3A_217, %add3A_266 : vector<16xi1>, vector<16xi32>
        %gt3A_272 = arith.cmpf ogt, %min3A_269, %max3A_220 : vector<16xf32>
        %max3A_273 = arith.maximumf %min3A_269, %max3A_220 : vector<16xf32>
        %min3A_274 = arith.minimumf %min3A_269, %max3A_220 : vector<16xf32>
        %select_n3A_275 = arith.select %gt3A_272, %select_n3A_271, %select_n3A_222 : vector<16xi1>, vector<16xi32>
        %select_n3A_276 = arith.select %gt3A_272, %select_n3A_222, %select_n3A_271 : vector<16xi1>, vector<16xi32>
        %gt3A_277 = arith.cmpf ogt, %min3A_274, %max3A_225 : vector<16xf32>
        %max3A_278 = arith.maximumf %min3A_274, %max3A_225 : vector<16xf32>
        %min3A_279 = arith.minimumf %min3A_274, %max3A_225 : vector<16xf32>
        %select_n3A_280 = arith.select %gt3A_277, %select_n3A_276, %select_n3A_227 : vector<16xi1>, vector<16xi32>
        %select_n3A_281 = arith.select %gt3A_277, %select_n3A_227, %select_n3A_276 : vector<16xi1>, vector<16xi32>
        %gt3A_282 = arith.cmpf ogt, %min3A_279, %max3A_230 : vector<16xf32>
        %max3A_283 = arith.maximumf %min3A_279, %max3A_230 : vector<16xf32>
        %min3A_284 = arith.minimumf %min3A_279, %max3A_230 : vector<16xf32>
        %select_n3A_285 = arith.select %gt3A_282, %select_n3A_281, %select_n3A_232 : vector<16xi1>, vector<16xi32>
        %select_n3A_286 = arith.select %gt3A_282, %select_n3A_232, %select_n3A_281 : vector<16xi1>, vector<16xi32>
        %gt3A_287 = arith.cmpf ogt, %min3A_284, %max3A_235 : vector<16xf32>
        %max3A_288 = arith.maximumf %min3A_284, %max3A_235 : vector<16xf32>
        %min3A_289 = arith.minimumf %min3A_284, %max3A_235 : vector<16xf32>
        %select_n3A_290 = arith.select %gt3A_287, %select_n3A_286, %select_n3A_237 : vector<16xi1>, vector<16xi32>
        %select_n3A_291 = arith.select %gt3A_287, %select_n3A_237, %select_n3A_286 : vector<16xi1>, vector<16xi32>
        %gt3A_292 = arith.cmpf ogt, %min3A_289, %max3A_240 : vector<16xf32>
        %max3A_293 = arith.maximumf %min3A_289, %max3A_240 : vector<16xf32>
        %min3A_294 = arith.minimumf %min3A_289, %max3A_240 : vector<16xf32>
        %select_n3A_295 = arith.select %gt3A_292, %select_n3A_291, %select_n3A_242 : vector<16xi1>, vector<16xi32>
        %select_n3A_296 = arith.select %gt3A_292, %select_n3A_242, %select_n3A_291 : vector<16xi1>, vector<16xi32>
        %gt3A_297 = arith.cmpf ogt, %min3A_294, %max3A_245 : vector<16xf32>
        %max3A_298 = arith.maximumf %min3A_294, %max3A_245 : vector<16xf32>
        %min3A_299 = arith.minimumf %min3A_294, %max3A_245 : vector<16xf32>
        %select_n3A_300 = arith.select %gt3A_297, %select_n3A_296, %select_n3A_247 : vector<16xi1>, vector<16xi32>
        %select_n3A_301 = arith.select %gt3A_297, %select_n3A_247, %select_n3A_296 : vector<16xi1>, vector<16xi32>
        %gt3A_302 = arith.cmpf ogt, %min3A_299, %max3A_250 : vector<16xf32>
        %max3A_303 = arith.maximumf %min3A_299, %max3A_250 : vector<16xf32>
        %min3A_304 = arith.minimumf %min3A_299, %max3A_250 : vector<16xf32>
        %select_n3A_305 = arith.select %gt3A_302, %select_n3A_301, %select_n3A_252 : vector<16xi1>, vector<16xi32>
        %select_n3A_306 = arith.select %gt3A_302, %select_n3A_252, %select_n3A_301 : vector<16xi1>, vector<16xi32>
        %mul3A_307 = arith.constant 16 : i32
        %mul3A_308 = arith.muli %scan3A_136, %mul3A_307 : i32
        %add3A_309 = arith.constant 3 : i32
        %add3A_310 = arith.addi %mul3A_308, %add3A_309 : i32
        %get3A_311 = arith.index_cast %add3A_310 : i32 to index
        %get3A_312 = arith.index_cast %add3A_12 : i32 to index
        %get3A_313 = tpu.vector_load %arg5[%get3A_311, %get3A_312] {strides = array<i32>} : memref<64x512xf32, #tpu.memory_space<vmem>>, vector<16xf32>,
        %mul3A_314 = arith.constant 16 : i32
        %mul3A_315 = arith.muli %scan3A_136, %mul3A_314 : i32
        %add3A_316 = arith.constant 3 : i32
        %add3A_317 = arith.addi %mul3A_315, %add3A_316 : i32
        %add3A_318 = vector.broadcast %add3A_317 : i32 to vector<16xi32>
        %add3A_319 = arith.addi %broadcast_in_dim3A_50, %add3A_318 : vector<16xi32>
        %gt3A_320 = arith.cmpf ogt, %get3A_313, %max3A_268 : vector<16xf32>
        %max3A_321 = arith.maximumf %get3A_313, %max3A_268 : vector<16xf32>
        %min3A_322 = arith.minimumf %get3A_313, %max3A_268 : vector<16xf32>
        %select_n3A_323 = arith.select %gt3A_320, %add3A_319, %select_n3A_270 : vector<16xi1>, vector<16xi32>
        %select_n3A_324 = arith.select %gt3A_320, %select_n3A_270, %add3A_319 : vector<16xi1>, vector<16xi32>
        %gt3A_325 = arith.cmpf ogt, %min3A_322, %max3A_273 : vector<16xf32>
        %max3A_326 = arith.maximumf %min3A_322, %max3A_273 : vector<16xf32>
        %min3A_327 = arith.minimumf %min3A_322, %max3A_273 : vector<16xf32>
        %select_n3A_328 = arith.select %gt3A_325, %select_n3A_324, %select_n3A_275 : vector<16xi1>, vector<16xi32>
        %select_n3A_329 = arith.select %gt3A_325, %select_n3A_275, %select_n3A_324 : vector<16xi1>, vector<16xi32>
        %gt3A_330 = arith.cmpf ogt, %min3A_327, %max3A_278 : vector<16xf32>
        %max3A_331 = arith.maximumf %min3A_327, %max3A_278 : vector<16xf32>
        %min3A_332 = arith.minimumf %min3A_327, %max3A_278 : vector<16xf32>
        %select_n3A_333 = arith.select %gt3A_330, %select_n3A_329, %select_n3A_280 : vector<16xi1>, vector<16xi32>
        %select_n3A_334 = arith.select %gt3A_330, %select_n3A_280, %select_n3A_329 : vector<16xi1>, vector<16xi32>
        %gt3A_335 = arith.cmpf ogt, %min3A_332, %max3A_283 : vector<16xf32>
        %max3A_336 = arith.maximumf %min3A_332, %max3A_283 : vector<16xf32>
        %min3A_337 = arith.minimumf %min3A_332, %max3A_283 : vector<16xf32>
        %select_n3A_338 = arith.select %gt3A_335, %select_n3A_334, %select_n3A_285 : vector<16xi1>, vector<16xi32>
        %select_n3A_339 = arith.select %gt3A_335, %select_n3A_285, %select_n3A_334 : vector<16xi1>, vector<16xi32>
        %gt3A_340 = arith.cmpf ogt, %min3A_337, %max3A_288 : vector<16xf32>
        %max3A_341 = arith.maximumf %min3A_337, %max3A_288 : vector<16xf32>
        %min3A_342 = arith.minimumf %min3A_337, %max3A_288 : vector<16xf32>
        %select_n3A_343 = arith.select %gt3A_340, %select_n3A_339, %select_n3A_290 : vector<16xi1>, vector<16xi32>
        %select_n3A_344 = arith.select %gt3A_340, %select_n3A_290, %select_n3A_339 : vector<16xi1>, vector<16xi32>
        %gt3A_345 = arith.cmpf ogt, %min3A_342, %max3A_293 : vector<16xf32>
        %max3A_346 = arith.maximumf %min3A_342, %max3A_293 : vector<16xf32>
        %min3A_347 = arith.minimumf %min3A_342, %max3A_293 : vector<16xf32>
        %select_n3A_348 = arith.select %gt3A_345, %select_n3A_344, %select_n3A_295 : vector<16xi1>, vector<16xi32>
        %select_n3A_349 = arith.select %gt3A_345, %select_n3A_295, %select_n3A_344 : vector<16xi1>, vector<16xi32>
        %gt3A_350 = arith.cmpf ogt, %min3A_347, %max3A_298 : vector<16xf32>
        %max3A_351 = arith.maximumf %min3A_347, %max3A_298 : vector<16xf32>
        %min3A_352 = arith.minimumf %min3A_347, %max3A_298 : vector<16xf32>
        %select_n3A_353 = arith.select %gt3A_350, %select_n3A_349, %select_n3A_300 : vector<16xi1>, vector<16xi32>
        %select_n3A_354 = arith.select %gt3A_350, %select_n3A_300, %select_n3A_349 : vector<16xi1>, vector<16xi32>
        %gt3A_355 = arith.cmpf ogt, %min3A_352, %max3A_303 : vector<16xf32>
        %max3A_356 = arith.maximumf %min3A_352, %max3A_303 : vector<16xf32>
        %min3A_357 = arith.minimumf %min3A_352, %max3A_303 : vector<16xf32>
        %select_n3A_358 = arith.select %gt3A_355, %select_n3A_354, %select_n3A_305 : vector<16xi1>, vector<16xi32>
        %select_n3A_359 = arith.select %gt3A_355, %select_n3A_305, %select_n3A_354 : vector<16xi1>, vector<16xi32>
        %mul3A_360 = arith.constant 16 : i32
        %mul3A_361 = arith.muli %scan3A_136, %mul3A_360 : i32
        %add3A_362 = arith.constant 4 : i32
        %add3A_363 = arith.addi %mul3A_361, %add3A_362 : i32
        %get3A_364 = arith.index_cast %add3A_363 : i32 to index
        %get3A_365 = arith.index_cast %add3A_12 : i32 to index
        %get3A_366 = tpu.vector_load %arg5[%get3A_364, %get3A_365] {strides = array<i32>} : memref<64x512xf32, #tpu.memory_space<vmem>>, vector<16xf32>,
        %mul3A_367 = arith.constant 16 : i32
        %mul3A_368 = arith.muli %scan3A_136, %mul3A_367 : i32
        %add3A_369 = arith.constant 4 : i32
        %add3A_370 = arith.addi %mul3A_368, %add3A_369 : i32
        %add3A_371 = vector.broadcast %add3A_370 : i32 to vector<16xi32>
        %add3A_372 = arith.addi %broadcast_in_dim3A_50, %add3A_371 : vector<16xi32>
        %gt3A_373 = arith.cmpf ogt, %get3A_366, %max3A_321 : vector<16xf32>
        %max3A_374 = arith.maximumf %get3A_366, %max3A_321 : vector<16xf32>
        %min3A_375 = arith.minimumf %get3A_366, %max3A_321 : vector<16xf32>
        %select_n3A_376 = arith.select %gt3A_373, %add3A_372, %select_n3A_323 : vector<16xi1>, vector<16xi32>
        %select_n3A_377 = arith.select %gt3A_373, %select_n3A_323, %add3A_372 : vector<16xi1>, vector<16xi32>
        %gt3A_378 = arith.cmpf ogt, %min3A_375, %max3A_326 : vector<16xf32>
        %max3A_379 = arith.maximumf %min3A_375, %max3A_326 : vector<16xf32>
        %min3A_380 = arith.minimumf %min3A_375, %max3A_326 : vector<16xf32>
        %select_n3A_381 = arith.select %gt3A_378, %select_n3A_377, %select_n3A_328 : vector<16xi1>, vector<16xi32>
        %select_n3A_382 = arith.select %gt3A_378, %select_n3A_328, %select_n3A_377 : vector<16xi1>, vector<16xi32>
        %gt3A_383 = arith.cmpf ogt, %min3A_380, %max3A_331 : vector<16xf32>
        %max3A_384 = arith.maximumf %min3A_380, %max3A_331 : vector<16xf32>
        %min3A_385 = arith.minimumf %min3A_380, %max3A_331 : vector<16xf32>
        %select_n3A_386 = arith.select %gt3A_383, %select_n3A_382, %select_n3A_333 : vector<16xi1>, vector<16xi32>
        %select_n3A_387 = arith.select %gt3A_383, %select_n3A_333, %select_n3A_382 : vector<16xi1>, vector<16xi32>
        %gt3A_388 = arith.cmpf ogt, %min3A_385, %max3A_336 : vector<16xf32>
        %max3A_389 = arith.maximumf %min3A_385, %max3A_336 : vector<16xf32>
        %min3A_390 = arith.minimumf %min3A_385, %max3A_336 : vector<16xf32>
        %select_n3A_391 = arith.select %gt3A_388, %select_n3A_387, %select_n3A_338 : vector<16xi1>, vector<16xi32>
        %select_n3A_392 = arith.select %gt3A_388, %select_n3A_338, %select_n3A_387 : vector<16xi1>, vector<16xi32>
        %gt3A_393 = arith.cmpf ogt, %min3A_390, %max3A_341 : vector<16xf32>
        %max3A_394 = arith.maximumf %min3A_390, %max3A_341 : vector<16xf32>
        %min3A_395 = arith.minimumf %min3A_390, %max3A_341 : vector<16xf32>
        %select_n3A_396 = arith.select %gt3A_393, %select_n3A_392, %select_n3A_343 : vector<16xi1>, vector<16xi32>
        %select_n3A_397 = arith.select %gt3A_393, %select_n3A_343, %select_n3A_392 : vector<16xi1>, vector<16xi32>
        %gt3A_398 = arith.cmpf ogt, %min3A_395, %max3A_346 : vector<16xf32>
        %max3A_399 = arith.maximumf %min3A_395, %max3A_346 : vector<16xf32>
        %min3A_400 = arith.minimumf %min3A_395, %max3A_346 : vector<16xf32>
        %select_n3A_401 = arith.select %gt3A_398, %select_n3A_397, %select_n3A_348 : vector<16xi1>, vector<16xi32>
        %select_n3A_402 = arith.select %gt3A_398, %select_n3A_348, %select_n3A_397 : vector<16xi1>, vector<16xi32>
        %gt3A_403 = arith.cmpf ogt, %min3A_400, %max3A_351 : vector<16xf32>
        %max3A_404 = arith.maximumf %min3A_400, %max3A_351 : vector<16xf32>
        %min3A_405 = arith.minimumf %min3A_400, %max3A_351 : vector<16xf32>
        %select_n3A_406 = arith.select %gt3A_403, %select_n3A_402, %select_n3A_353 : vector<16xi1>, vector<16xi32>
        %select_n3A_407 = arith.select %gt3A_403, %select_n3A_353, %select_n3A_402 : vector<16xi1>, vector<16xi32>
        %gt3A_408 = arith.cmpf ogt, %min3A_405, %max3A_356 : vector<16xf32>
        %max3A_409 = arith.maximumf %min3A_405, %max3A_356 : vector<16xf32>
        %min3A_410 = arith.minimumf %min3A_405, %max3A_356 : vector<16xf32>
        %select_n3A_411 = arith.select %gt3A_408, %select_n3A_407, %select_n3A_358 : vector<16xi1>, vector<16xi32>
        %select_n3A_412 = arith.select %gt3A_408, %select_n3A_358, %select_n3A_407 : vector<16xi1>, vector<16xi32>
        %mul3A_413 = arith.constant 16 : i32
        %mul3A_414 = arith.muli %scan3A_136, %mul3A_413 : i32
        %add3A_415 = arith.constant 5 : i32
        %add3A_416 = arith.addi %mul3A_414, %add3A_415 : i32
        %get3A_417 = arith.index_cast %add3A_416 : i32 to index
        %get3A_418 = arith.index_cast %add3A_12 : i32 to index
        %get3A_419 = tpu.vector_load %arg5[%get3A_417, %get3A_418] {strides = array<i32>} : memref<64x512xf32, #tpu.memory_space<vmem>>, vector<16xf32>,
        %mul3A_420 = arith.constant 16 : i32
        %mul3A_421 = arith.muli %scan3A_136, %mul3A_420 : i32
        %add3A_422 = arith.constant 5 : i32
        %add3A_423 = arith.addi %mul3A_421, %add3A_422 : i32
        %add3A_424 = vector.broadcast %add3A_423 : i32 to vector<16xi32>
        %add3A_425 = arith.addi %broadcast_in_dim3A_50, %add3A_424 : vector<16xi32>
        %gt3A_426 = arith.cmpf ogt, %get3A_419, %max3A_374 : vector<16xf32>
        %max3A_427 = arith.maximumf %get3A_419, %max3A_374 : vector<16xf32>
        %min3A_428 = arith.minimumf %get3A_419, %max3A_374 : vector<16xf32>
        %select_n3A_429 = arith.select %gt3A_426, %add3A_425, %select_n3A_376 : vector<16xi1>, vector<16xi32>
        %select_n3A_430 = arith.select %gt3A_426, %select_n3A_376, %add3A_425 : vector<16xi1>, vector<16xi32>
        %gt3A_431 = arith.cmpf ogt, %min3A_428, %max3A_379 : vector<16xf32>
        %max3A_432 = arith.maximumf %min3A_428, %max3A_379 : vector<16xf32>
        %min3A_433 = arith.minimumf %min3A_428, %max3A_379 : vector<16xf32>
        %select_n3A_434 = arith.select %gt3A_431, %select_n3A_430, %select_n3A_381 : vector<16xi1>, vector<16xi32>
        %select_n3A_435 = arith.select %gt3A_431, %select_n3A_381, %select_n3A_430 : vector<16xi1>, vector<16xi32>
        %gt3A_436 = arith.cmpf ogt, %min3A_433, %max3A_384 : vector<16xf32>
        %max3A_437 = arith.maximumf %min3A_433, %max3A_384 : vector<16xf32>
        %min3A_438 = arith.minimumf %min3A_433, %max3A_384 : vector<16xf32>
        %select_n3A_439 = arith.select %gt3A_436, %select_n3A_435, %select_n3A_386 : vector<16xi1>, vector<16xi32>
        %select_n3A_440 = arith.select %gt3A_436, %select_n3A_386, %select_n3A_435 : vector<16xi1>, vector<16xi32>
        %gt3A_441 = arith.cmpf ogt, %min3A_438, %max3A_389 : vector<16xf32>
        %max3A_442 = arith.maximumf %min3A_438, %max3A_389 : vector<16xf32>
        %min3A_443 = arith.minimumf %min3A_438, %max3A_389 : vector<16xf32>
        %select_n3A_444 = arith.select %gt3A_441, %select_n3A_440, %select_n3A_391 : vector<16xi1>, vector<16xi32>
        %select_n3A_445 = arith.select %gt3A_441, %select_n3A_391, %select_n3A_440 : vector<16xi1>, vector<16xi32>
        %gt3A_446 = arith.cmpf ogt, %min3A_443, %max3A_394 : vector<16xf32>
        %max3A_447 = arith.maximumf %min3A_443, %max3A_394 : vector<16xf32>
        %min3A_448 = arith.minimumf %min3A_443, %max3A_394 : vector<16xf32>
        %select_n3A_449 = arith.select %gt3A_446, %select_n3A_445, %select_n3A_396 : vector<16xi1>, vector<16xi32>
        %select_n3A_450 = arith.select %gt3A_446, %select_n3A_396, %select_n3A_445 : vector<16xi1>, vector<16xi32>
        %gt3A_451 = arith.cmpf ogt, %min3A_448, %max3A_399 : vector<16xf32>
        %max3A_452 = arith.maximumf %min3A_448, %max3A_399 : vector<16xf32>
        %min3A_453 = arith.minimumf %min3A_448, %max3A_399 : vector<16xf32>
        %select_n3A_454 = arith.select %gt3A_451, %select_n3A_450, %select_n3A_401 : vector<16xi1>, vector<16xi32>
        %select_n3A_455 = arith.select %gt3A_451, %select_n3A_401, %select_n3A_450 : vector<16xi1>, vector<16xi32>
        %gt3A_456 = arith.cmpf ogt, %min3A_453, %max3A_404 : vector<16xf32>
        %max3A_457 = arith.maximumf %min3A_453, %max3A_404 : vector<16xf32>
        %min3A_458 = arith.minimumf %min3A_453, %max3A_404 : vector<16xf32>
        %select_n3A_459 = arith.select %gt3A_456, %select_n3A_455, %select_n3A_406 : vector<16xi1>, vector<16xi32>
        %select_n3A_460 = arith.select %gt3A_456, %select_n3A_406, %select_n3A_455 : vector<16xi1>, vector<16xi32>
        %gt3A_461 = arith.cmpf ogt, %min3A_458, %max3A_409 : vector<16xf32>
        %max3A_462 = arith.maximumf %min3A_458, %max3A_409 : vector<16xf32>
        %min3A_463 = arith.minimumf %min3A_458, %max3A_409 : vector<16xf32>
        %select_n3A_464 = arith.select %gt3A_461, %select_n3A_460, %select_n3A_411 : vector<16xi1>, vector<16xi32>
        %select_n3A_465 = arith.select %gt3A_461, %select_n3A_411, %select_n3A_460 : vector<16xi1>, vector<16xi32>
        %mul3A_466 = arith.constant 16 : i32
        %mul3A_467 = arith.muli %scan3A_136, %mul3A_466 : i32
        %add3A_468 = arith.constant 6 : i32
        %add3A_469 = arith.addi %mul3A_467, %add3A_468 : i32
        %get3A_470 = arith.index_cast %add3A_469 : i32 to index
        %get3A_471 = arith.index_cast %add3A_12 : i32 to index
        %get3A_472 = tpu.vector_load %arg5[%get3A_470, %get3A_471] {strides = array<i32>} : memref<64x512xf32, #tpu.memory_space<vmem>>, vector<16xf32>,
        %mul3A_473 = arith.constant 16 : i32
        %mul3A_474 = arith.muli %scan3A_136, %mul3A_473 : i32
        %add3A_475 = arith.constant 6 : i32
        %add3A_476 = arith.addi %mul3A_474, %add3A_475 : i32
        %add3A_477 = vector.broadcast %add3A_476 : i32 to vector<16xi32>
        %add3A_478 = arith.addi %broadcast_in_dim3A_50, %add3A_477 : vector<16xi32>
        %gt3A_479 = arith.cmpf ogt, %get3A_472, %max3A_427 : vector<16xf32>
        %max3A_480 = arith.maximumf %get3A_472, %max3A_427 : vector<16xf32>
        %min3A_481 = arith.minimumf %get3A_472, %max3A_427 : vector<16xf32>
        %select_n3A_482 = arith.select %gt3A_479, %add3A_478, %select_n3A_429 : vector<16xi1>, vector<16xi32>
        %select_n3A_483 = arith.select %gt3A_479, %select_n3A_429, %add3A_478 : vector<16xi1>, vector<16xi32>
        %gt3A_484 = arith.cmpf ogt, %min3A_481, %max3A_432 : vector<16xf32>
        %max3A_485 = arith.maximumf %min3A_481, %max3A_432 : vector<16xf32>
        %min3A_486 = arith.minimumf %min3A_481, %max3A_432 : vector<16xf32>
        %select_n3A_487 = arith.select %gt3A_484, %select_n3A_483, %select_n3A_434 : vector<16xi1>, vector<16xi32>
        %select_n3A_488 = arith.select %gt3A_484, %select_n3A_434, %select_n3A_483 : vector<16xi1>, vector<16xi32>
        %gt3A_489 = arith.cmpf ogt, %min3A_486, %max3A_437 : vector<16xf32>
        %max3A_490 = arith.maximumf %min3A_486, %max3A_437 : vector<16xf32>
        %min3A_491 = arith.minimumf %min3A_486, %max3A_437 : vector<16xf32>
        %select_n3A_492 = arith.select %gt3A_489, %select_n3A_488, %select_n3A_439 : vector<16xi1>, vector<16xi32>
        %select_n3A_493 = arith.select %gt3A_489, %select_n3A_439, %select_n3A_488 : vector<16xi1>, vector<16xi32>
        %gt3A_494 = arith.cmpf ogt, %min3A_491, %max3A_442 : vector<16xf32>
        %max3A_495 = arith.maximumf %min3A_491, %max3A_442 : vector<16xf32>
        %min3A_496 = arith.minimumf %min3A_491, %max3A_442 : vector<16xf32>
        %select_n3A_497 = arith.select %gt3A_494, %select_n3A_493, %select_n3A_444 : vector<16xi1>, vector<16xi32>
        %select_n3A_498 = arith.select %gt3A_494, %select_n3A_444, %select_n3A_493 : vector<16xi1>, vector<16xi32>
        %gt3A_499 = arith.cmpf ogt, %min3A_496, %max3A_447 : vector<16xf32>
        %max3A_500 = arith.maximumf %min3A_496, %max3A_447 : vector<16xf32>
        %min3A_501 = arith.minimumf %min3A_496, %max3A_447 : vector<16xf32>
        %select_n3A_502 = arith.select %gt3A_499, %select_n3A_498, %select_n3A_449 : vector<16xi1>, vector<16xi32>
        %select_n3A_503 = arith.select %gt3A_499, %select_n3A_449, %select_n3A_498 : vector<16xi1>, vector<16xi32>
        %gt3A_504 = arith.cmpf ogt, %min3A_501, %max3A_452 : vector<16xf32>
        %max3A_505 = arith.maximumf %min3A_501, %max3A_452 : vector<16xf32>
        %min3A_506 = arith.minimumf %min3A_501, %max3A_452 : vector<16xf32>
        %select_n3A_507 = arith.select %gt3A_504, %select_n3A_503, %select_n3A_454 : vector<16xi1>, vector<16xi32>
        %select_n3A_508 = arith.select %gt3A_504, %select_n3A_454, %select_n3A_503 : vector<16xi1>, vector<16xi32>
        %gt3A_509 = arith.cmpf ogt, %min3A_506, %max3A_457 : vector<16xf32>
        %max3A_510 = arith.maximumf %min3A_506, %max3A_457 : vector<16xf32>
        %min3A_511 = arith.minimumf %min3A_506, %max3A_457 : vector<16xf32>
        %select_n3A_512 = arith.select %gt3A_509, %select_n3A_508, %select_n3A_459 : vector<16xi1>, vector<16xi32>
        %select_n3A_513 = arith.select %gt3A_509, %select_n3A_459, %select_n3A_508 : vector<16xi1>, vector<16xi32>
        %gt3A_514 = arith.cmpf ogt, %min3A_511, %max3A_462 : vector<16xf32>
        %max3A_515 = arith.maximumf %min3A_511, %max3A_462 : vector<16xf32>
        %min3A_516 = arith.minimumf %min3A_511, %max3A_462 : vector<16xf32>
        %select_n3A_517 = arith.select %gt3A_514, %select_n3A_513, %select_n3A_464 : vector<16xi1>, vector<16xi32>
        %select_n3A_518 = arith.select %gt3A_514, %select_n3A_464, %select_n3A_513 : vector<16xi1>, vector<16xi32>
        %mul3A_519 = arith.constant 16 : i32
        %mul3A_520 = arith.muli %scan3A_136, %mul3A_519 : i32
        %add3A_521 = arith.constant 7 : i32
        %add3A_522 = arith.addi %mul3A_520, %add3A_521 : i32
        %get3A_523 = arith.index_cast %add3A_522 : i32 to index
        %get3A_524 = arith.index_cast %add3A_12 : i32 to index
        %get3A_525 = tpu.vector_load %arg5[%get3A_523, %get3A_524] {strides = array<i32>} : memref<64x512xf32, #tpu.memory_space<vmem>>, vector<16xf32>,
        %mul3A_526 = arith.constant 16 : i32
        %mul3A_527 = arith.muli %scan3A_136, %mul3A_526 : i32
        %add3A_528 = arith.constant 7 : i32
        %add3A_529 = arith.addi %mul3A_527, %add3A_528 : i32
        %add3A_530 = vector.broadcast %add3A_529 : i32 to vector<16xi32>
        %add3A_531 = arith.addi %broadcast_in_dim3A_50, %add3A_530 : vector<16xi32>
        %gt3A_532 = arith.cmpf ogt, %get3A_525, %max3A_480 : vector<16xf32>
        %max3A_533 = arith.maximumf %get3A_525, %max3A_480 : vector<16xf32>
        %min3A_534 = arith.minimumf %get3A_525, %max3A_480 : vector<16xf32>
        %select_n3A_535 = arith.select %gt3A_532, %add3A_531, %select_n3A_482 : vector<16xi1>, vector<16xi32>
        %select_n3A_536 = arith.select %gt3A_532, %select_n3A_482, %add3A_531 : vector<16xi1>, vector<16xi32>
        %gt3A_537 = arith.cmpf ogt, %min3A_534, %max3A_485 : vector<16xf32>
        %max3A_538 = arith.maximumf %min3A_534, %max3A_485 : vector<16xf32>
        %min3A_539 = arith.minimumf %min3A_534, %max3A_485 : vector<16xf32>
        %select_n3A_540 = arith.select %gt3A_537, %select_n3A_536, %select_n3A_487 : vector<16xi1>, vector<16xi32>
        %select_n3A_541 = arith.select %gt3A_537, %select_n3A_487, %select_n3A_536 : vector<16xi1>, vector<16xi32>
        %gt3A_542 = arith.cmpf ogt, %min3A_539, %max3A_490 : vector<16xf32>
        %max3A_543 = arith.maximumf %min3A_539, %max3A_490 : vector<16xf32>
        %min3A_544 = arith.minimumf %min3A_539, %max3A_490 : vector<16xf32>
        %select_n3A_545 = arith.select %gt3A_542, %select_n3A_541, %select_n3A_492 : vector<16xi1>, vector<16xi32>
        %select_n3A_546 = arith.select %gt3A_542, %select_n3A_492, %select_n3A_541 : vector<16xi1>, vector<16xi32>
        %gt3A_547 = arith.cmpf ogt, %min3A_544, %max3A_495 : vector<16xf32>
        %max3A_548 = arith.maximumf %min3A_544, %max3A_495 : vector<16xf32>
        %min3A_549 = arith.minimumf %min3A_544, %max3A_495 : vector<16xf32>
        %select_n3A_550 = arith.select %gt3A_547, %select_n3A_546, %select_n3A_497 : vector<16xi1>, vector<16xi32>
        %select_n3A_551 = arith.select %gt3A_547, %select_n3A_497, %select_n3A_546 : vector<16xi1>, vector<16xi32>
        %gt3A_552 = arith.cmpf ogt, %min3A_549, %max3A_500 : vector<16xf32>
        %max3A_553 = arith.maximumf %min3A_549, %max3A_500 : vector<16xf32>
        %min3A_554 = arith.minimumf %min3A_549, %max3A_500 : vector<16xf32>
        %select_n3A_555 = arith.select %gt3A_552, %select_n3A_551, %select_n3A_502 : vector<16xi1>, vector<16xi32>
        %select_n3A_556 = arith.select %gt3A_552, %select_n3A_502, %select_n3A_551 : vector<16xi1>, vector<16xi32>
        %gt3A_557 = arith.cmpf ogt, %min3A_554, %max3A_505 : vector<16xf32>
        %max3A_558 = arith.maximumf %min3A_554, %max3A_505 : vector<16xf32>
        %min3A_559 = arith.minimumf %min3A_554, %max3A_505 : vector<16xf32>
        %select_n3A_560 = arith.select %gt3A_557, %select_n3A_556, %select_n3A_507 : vector<16xi1>, vector<16xi32>
        %select_n3A_561 = arith.select %gt3A_557, %select_n3A_507, %select_n3A_556 : vector<16xi1>, vector<16xi32>
        %gt3A_562 = arith.cmpf ogt, %min3A_559, %max3A_510 : vector<16xf32>
        %max3A_563 = arith.maximumf %min3A_559, %max3A_510 : vector<16xf32>
        %min3A_564 = arith.minimumf %min3A_559, %max3A_510 : vector<16xf32>
        %select_n3A_565 = arith.select %gt3A_562, %select_n3A_561, %select_n3A_512 : vector<16xi1>, vector<16xi32>
        %select_n3A_566 = arith.select %gt3A_562, %select_n3A_512, %select_n3A_561 : vector<16xi1>, vector<16xi32>
        %gt3A_567 = arith.cmpf ogt, %min3A_564, %max3A_515 : vector<16xf32>
        %max3A_568 = arith.maximumf %min3A_564, %max3A_515 : vector<16xf32>
        %min3A_569 = arith.minimumf %min3A_564, %max3A_515 : vector<16xf32>
        %select_n3A_570 = arith.select %gt3A_567, %select_n3A_566, %select_n3A_517 : vector<16xi1>, vector<16xi32>
        %select_n3A_571 = arith.select %gt3A_567, %select_n3A_517, %select_n3A_566 : vector<16xi1>, vector<16xi32>
        %mul3A_572 = arith.constant 16 : i32
        %mul3A_573 = arith.muli %scan3A_136, %mul3A_572 : i32
        %add3A_574 = arith.constant 8 : i32
        %add3A_575 = arith.addi %mul3A_573, %add3A_574 : i32
        %get3A_576 = arith.index_cast %add3A_575 : i32 to index
        %get3A_577 = arith.index_cast %add3A_12 : i32 to index
        %get3A_578 = tpu.vector_load %arg5[%get3A_576, %get3A_577] {strides = array<i32>} : memref<64x512xf32, #tpu.memory_space<vmem>>, vector<16xf32>,
        %mul3A_579 = arith.constant 16 : i32
        %mul3A_580 = arith.muli %scan3A_136, %mul3A_579 : i32
        %add3A_581 = arith.constant 8 : i32
        %add3A_582 = arith.addi %mul3A_580, %add3A_581 : i32
        %add3A_583 = vector.broadcast %add3A_582 : i32 to vector<16xi32>
        %add3A_584 = arith.addi %broadcast_in_dim3A_50, %add3A_583 : vector<16xi32>
        %gt3A_585 = arith.cmpf ogt, %get3A_578, %max3A_533 : vector<16xf32>
        %max3A_586 = arith.maximumf %get3A_578, %max3A_533 : vector<16xf32>
        %min3A_587 = arith.minimumf %get3A_578, %max3A_533 : vector<16xf32>
        %select_n3A_588 = arith.select %gt3A_585, %add3A_584, %select_n3A_535 : vector<16xi1>, vector<16xi32>
        %select_n3A_589 = arith.select %gt3A_585, %select_n3A_535, %add3A_584 : vector<16xi1>, vector<16xi32>
        %gt3A_590 = arith.cmpf ogt, %min3A_587, %max3A_538 : vector<16xf32>
        %max3A_591 = arith.maximumf %min3A_587, %max3A_538 : vector<16xf32>
        %min3A_592 = arith.minimumf %min3A_587, %max3A_538 : vector<16xf32>
        %select_n3A_593 = arith.select %gt3A_590, %select_n3A_589, %select_n3A_540 : vector<16xi1>, vector<16xi32>
        %select_n3A_594 = arith.select %gt3A_590, %select_n3A_540, %select_n3A_589 : vector<16xi1>, vector<16xi32>
        %gt3A_595 = arith.cmpf ogt, %min3A_592, %max3A_543 : vector<16xf32>
        %max3A_596 = arith.maximumf %min3A_592, %max3A_543 : vector<16xf32>
        %min3A_597 = arith.minimumf %min3A_592, %max3A_543 : vector<16xf32>
        %select_n3A_598 = arith.select %gt3A_595, %select_n3A_594, %select_n3A_545 : vector<16xi1>, vector<16xi32>
        %select_n3A_599 = arith.select %gt3A_595, %select_n3A_545, %select_n3A_594 : vector<16xi1>, vector<16xi32>
        %gt3A_600 = arith.cmpf ogt, %min3A_597, %max3A_548 : vector<16xf32>
        %max3A_601 = arith.maximumf %min3A_597, %max3A_548 : vector<16xf32>
        %min3A_602 = arith.minimumf %min3A_597, %max3A_548 : vector<16xf32>
        %select_n3A_603 = arith.select %gt3A_600, %select_n3A_599, %select_n3A_550 : vector<16xi1>, vector<16xi32>
        %select_n3A_604 = arith.select %gt3A_600, %select_n3A_550, %select_n3A_599 : vector<16xi1>, vector<16xi32>
        %gt3A_605 = arith.cmpf ogt, %min3A_602, %max3A_553 : vector<16xf32>
        %max3A_606 = arith.maximumf %min3A_602, %max3A_553 : vector<16xf32>
        %min3A_607 = arith.minimumf %min3A_602, %max3A_553 : vector<16xf32>
        %select_n3A_608 = arith.select %gt3A_605, %select_n3A_604, %select_n3A_555 : vector<16xi1>, vector<16xi32>
        %select_n3A_609 = arith.select %gt3A_605, %select_n3A_555, %select_n3A_604 : vector<16xi1>, vector<16xi32>
        %gt3A_610 = arith.cmpf ogt, %min3A_607, %max3A_558 : vector<16xf32>
        %max3A_611 = arith.maximumf %min3A_607, %max3A_558 : vector<16xf32>
        %min3A_612 = arith.minimumf %min3A_607, %max3A_558 : vector<16xf32>
        %select_n3A_613 = arith.select %gt3A_610, %select_n3A_609, %select_n3A_560 : vector<16xi1>, vector<16xi32>
        %select_n3A_614 = arith.select %gt3A_610, %select_n3A_560, %select_n3A_609 : vector<16xi1>, vector<16xi32>
        %gt3A_615 = arith.cmpf ogt, %min3A_612, %max3A_563 : vector<16xf32>
        %max3A_616 = arith.maximumf %min3A_612, %max3A_563 : vector<16xf32>
        %min3A_617 = arith.minimumf %min3A_612, %max3A_563 : vector<16xf32>
        %select_n3A_618 = arith.select %gt3A_615, %select_n3A_614, %select_n3A_565 : vector<16xi1>, vector<16xi32>
        %select_n3A_619 = arith.select %gt3A_615, %select_n3A_565, %select_n3A_614 : vector<16xi1>, vector<16xi32>
        %gt3A_620 = arith.cmpf ogt, %min3A_617, %max3A_568 : vector<16xf32>
        %max3A_621 = arith.maximumf %min3A_617, %max3A_568 : vector<16xf32>
        %min3A_622 = arith.minimumf %min3A_617, %max3A_568 : vector<16xf32>
        %select_n3A_623 = arith.select %gt3A_620, %select_n3A_619, %select_n3A_570 : vector<16xi1>, vector<16xi32>
        %select_n3A_624 = arith.select %gt3A_620, %select_n3A_570, %select_n3A_619 : vector<16xi1>, vector<16xi32>
        %mul3A_625 = arith.constant 16 : i32
        %mul3A_626 = arith.muli %scan3A_136, %mul3A_625 : i32
        %add3A_627 = arith.constant 9 : i32
        %add3A_628 = arith.addi %mul3A_626, %add3A_627 : i32
        %get3A_629 = arith.index_cast %add3A_628 : i32 to index
        %get3A_630 = arith.index_cast %add3A_12 : i32 to index
        %get3A_631 = tpu.vector_load %arg5[%get3A_629, %get3A_630] {strides = array<i32>} : memref<64x512xf32, #tpu.memory_space<vmem>>, vector<16xf32>,
        %mul3A_632 = arith.constant 16 : i32
        %mul3A_633 = arith.muli %scan3A_136, %mul3A_632 : i32
        %add3A_634 = arith.constant 9 : i32
        %add3A_635 = arith.addi %mul3A_633, %add3A_634 : i32
        %add3A_636 = vector.broadcast %add3A_635 : i32 to vector<16xi32>
        %add3A_637 = arith.addi %broadcast_in_dim3A_50, %add3A_636 : vector<16xi32>
        %gt3A_638 = arith.cmpf ogt, %get3A_631, %max3A_586 : vector<16xf32>
        %max3A_639 = arith.maximumf %get3A_631, %max3A_586 : vector<16xf32>
        %min3A_640 = arith.minimumf %get3A_631, %max3A_586 : vector<16xf32>
        %select_n3A_641 = arith.select %gt3A_638, %add3A_637, %select_n3A_588 : vector<16xi1>, vector<16xi32>
        %select_n3A_642 = arith.select %gt3A_638, %select_n3A_588, %add3A_637 : vector<16xi1>, vector<16xi32>
        %gt3A_643 = arith.cmpf ogt, %min3A_640, %max3A_591 : vector<16xf32>
        %max3A_644 = arith.maximumf %min3A_640, %max3A_591 : vector<16xf32>
        %min3A_645 = arith.minimumf %min3A_640, %max3A_591 : vector<16xf32>
        %select_n3A_646 = arith.select %gt3A_643, %select_n3A_642, %select_n3A_593 : vector<16xi1>, vector<16xi32>
        %select_n3A_647 = arith.select %gt3A_643, %select_n3A_593, %select_n3A_642 : vector<16xi1>, vector<16xi32>
        %gt3A_648 = arith.cmpf ogt, %min3A_645, %max3A_596 : vector<16xf32>
        %max3A_649 = arith.maximumf %min3A_645, %max3A_596 : vector<16xf32>
        %min3A_650 = arith.minimumf %min3A_645, %max3A_596 : vector<16xf32>
        %select_n3A_651 = arith.select %gt3A_648, %select_n3A_647, %select_n3A_598 : vector<16xi1>, vector<16xi32>
        %select_n3A_652 = arith.select %gt3A_648, %select_n3A_598, %select_n3A_647 : vector<16xi1>, vector<16xi32>
        %gt3A_653 = arith.cmpf ogt, %min3A_650, %max3A_601 : vector<16xf32>
        %max3A_654 = arith.maximumf %min3A_650, %max3A_601 : vector<16xf32>
        %min3A_655 = arith.minimumf %min3A_650, %max3A_601 : vector<16xf32>
        %select_n3A_656 = arith.select %gt3A_653, %select_n3A_652, %select_n3A_603 : vector<16xi1>, vector<16xi32>
        %select_n3A_657 = arith.select %gt3A_653, %select_n3A_603, %select_n3A_652 : vector<16xi1>, vector<16xi32>
        %gt3A_658 = arith.cmpf ogt, %min3A_655, %max3A_606 : vector<16xf32>
        %max3A_659 = arith.maximumf %min3A_655, %max3A_606 : vector<16xf32>
        %min3A_660 = arith.minimumf %min3A_655, %max3A_606 : vector<16xf32>
        %select_n3A_661 = arith.select %gt3A_658, %select_n3A_657, %select_n3A_608 : vector<16xi1>, vector<16xi32>
        %select_n3A_662 = arith.select %gt3A_658, %select_n3A_608, %select_n3A_657 : vector<16xi1>, vector<16xi32>
        %gt3A_663 = arith.cmpf ogt, %min3A_660, %max3A_611 : vector<16xf32>
        %max3A_664 = arith.maximumf %min3A_660, %max3A_611 : vector<16xf32>
        %min3A_665 = arith.minimumf %min3A_660, %max3A_611 : vector<16xf32>
        %select_n3A_666 = arith.select %gt3A_663, %select_n3A_662, %select_n3A_613 : vector<16xi1>, vector<16xi32>
        %select_n3A_667 = arith.select %gt3A_663, %select_n3A_613, %select_n3A_662 : vector<16xi1>, vector<16xi32>
        %gt3A_668 = arith.cmpf ogt, %min3A_665, %max3A_616 : vector<16xf32>
        %max3A_669 = arith.maximumf %min3A_665, %max3A_616 : vector<16xf32>
        %min3A_670 = arith.minimumf %min3A_665, %max3A_616 : vector<16xf32>
        %select_n3A_671 = arith.select %gt3A_668, %select_n3A_667, %select_n3A_618 : vector<16xi1>, vector<16xi32>
        %select_n3A_672 = arith.select %gt3A_668, %select_n3A_618, %select_n3A_667 : vector<16xi1>, vector<16xi32>
        %gt3A_673 = arith.cmpf ogt, %min3A_670, %max3A_621 : vector<16xf32>
        %max3A_674 = arith.maximumf %min3A_670, %max3A_621 : vector<16xf32>
        %min3A_675 = arith.minimumf %min3A_670, %max3A_621 : vector<16xf32>
        %select_n3A_676 = arith.select %gt3A_673, %select_n3A_672, %select_n3A_623 : vector<16xi1>, vector<16xi32>
        %select_n3A_677 = arith.select %gt3A_673, %select_n3A_623, %select_n3A_672 : vector<16xi1>, vector<16xi32>
        %mul3A_678 = arith.constant 16 : i32
        %mul3A_679 = arith.muli %scan3A_136, %mul3A_678 : i32
        %add3A_680 = arith.constant 10 : i32
        %add3A_681 = arith.addi %mul3A_679, %add3A_680 : i32
        %get3A_682 = arith.index_cast %add3A_681 : i32 to index
        %get3A_683 = arith.index_cast %add3A_12 : i32 to index
        %get3A_684 = tpu.vector_load %arg5[%get3A_682, %get3A_683] {strides = array<i32>} : memref<64x512xf32, #tpu.memory_space<vmem>>, vector<16xf32>,
        %mul3A_685 = arith.constant 16 : i32
        %mul3A_686 = arith.muli %scan3A_136, %mul3A_685 : i32
        %add3A_687 = arith.constant 10 : i32
        %add3A_688 = arith.addi %mul3A_686, %add3A_687 : i32
        %add3A_689 = vector.broadcast %add3A_688 : i32 to vector<16xi32>
        %add3A_690 = arith.addi %broadcast_in_dim3A_50, %add3A_689 : vector<16xi32>
        %gt3A_691 = arith.cmpf ogt, %get3A_684, %max3A_639 : vector<16xf32>
        %max3A_692 = arith.maximumf %get3A_684, %max3A_639 : vector<16xf32>
        %min3A_693 = arith.minimumf %get3A_684, %max3A_639 : vector<16xf32>
        %select_n3A_694 = arith.select %gt3A_691, %add3A_690, %select_n3A_641 : vector<16xi1>, vector<16xi32>
        %select_n3A_695 = arith.select %gt3A_691, %select_n3A_641, %add3A_690 : vector<16xi1>, vector<16xi32>
        %gt3A_696 = arith.cmpf ogt, %min3A_693, %max3A_644 : vector<16xf32>
        %max3A_697 = arith.maximumf %min3A_693, %max3A_644 : vector<16xf32>
        %min3A_698 = arith.minimumf %min3A_693, %max3A_644 : vector<16xf32>
        %select_n3A_699 = arith.select %gt3A_696, %select_n3A_695, %select_n3A_646 : vector<16xi1>, vector<16xi32>
        %select_n3A_700 = arith.select %gt3A_696, %select_n3A_646, %select_n3A_695 : vector<16xi1>, vector<16xi32>
        %gt3A_701 = arith.cmpf ogt, %min3A_698, %max3A_649 : vector<16xf32>
        %max3A_702 = arith.maximumf %min3A_698, %max3A_649 : vector<16xf32>
        %min3A_703 = arith.minimumf %min3A_698, %max3A_649 : vector<16xf32>
        %select_n3A_704 = arith.select %gt3A_701, %select_n3A_700, %select_n3A_651 : vector<16xi1>, vector<16xi32>
        %select_n3A_705 = arith.select %gt3A_701, %select_n3A_651, %select_n3A_700 : vector<16xi1>, vector<16xi32>
        %gt3A_706 = arith.cmpf ogt, %min3A_703, %max3A_654 : vector<16xf32>
        %max3A_707 = arith.maximumf %min3A_703, %max3A_654 : vector<16xf32>
        %min3A_708 = arith.minimumf %min3A_703, %max3A_654 : vector<16xf32>
        %select_n3A_709 = arith.select %gt3A_706, %select_n3A_705, %select_n3A_656 : vector<16xi1>, vector<16xi32>
        %select_n3A_710 = arith.select %gt3A_706, %select_n3A_656, %select_n3A_705 : vector<16xi1>, vector<16xi32>
        %gt3A_711 = arith.cmpf ogt, %min3A_708, %max3A_659 : vector<16xf32>
        %max3A_712 = arith.maximumf %min3A_708, %max3A_659 : vector<16xf32>
        %min3A_713 = arith.minimumf %min3A_708, %max3A_659 : vector<16xf32>
        %select_n3A_714 = arith.select %gt3A_711, %select_n3A_710, %select_n3A_661 : vector<16xi1>, vector<16xi32>
        %select_n3A_715 = arith.select %gt3A_711, %select_n3A_661, %select_n3A_710 : vector<16xi1>, vector<16xi32>
        %gt3A_716 = arith.cmpf ogt, %min3A_713, %max3A_664 : vector<16xf32>
        %max3A_717 = arith.maximumf %min3A_713, %max3A_664 : vector<16xf32>
        %min3A_718 = arith.minimumf %min3A_713, %max3A_664 : vector<16xf32>
        %select_n3A_719 = arith.select %gt3A_716, %select_n3A_715, %select_n3A_666 : vector<16xi1>, vector<16xi32>
        %select_n3A_720 = arith.select %gt3A_716, %select_n3A_666, %select_n3A_715 : vector<16xi1>, vector<16xi32>
        %gt3A_721 = arith.cmpf ogt, %min3A_718, %max3A_669 : vector<16xf32>
        %max3A_722 = arith.maximumf %min3A_718, %max3A_669 : vector<16xf32>
        %min3A_723 = arith.minimumf %min3A_718, %max3A_669 : vector<16xf32>
        %select_n3A_724 = arith.select %gt3A_721, %select_n3A_720, %select_n3A_671 : vector<16xi1>, vector<16xi32>
        %select_n3A_725 = arith.select %gt3A_721, %select_n3A_671, %select_n3A_720 : vector<16xi1>, vector<16xi32>
        %gt3A_726 = arith.cmpf ogt, %min3A_723, %max3A_674 : vector<16xf32>
        %max3A_727 = arith.maximumf %min3A_723, %max3A_674 : vector<16xf32>
        %min3A_728 = arith.minimumf %min3A_723, %max3A_674 : vector<16xf32>
        %select_n3A_729 = arith.select %gt3A_726, %select_n3A_725, %select_n3A_676 : vector<16xi1>, vector<16xi32>
        %select_n3A_730 = arith.select %gt3A_726, %select_n3A_676, %select_n3A_725 : vector<16xi1>, vector<16xi32>
        %mul3A_731 = arith.constant 16 : i32
        %mul3A_732 = arith.muli %scan3A_136, %mul3A_731 : i32
        %add3A_733 = arith.constant 11 : i32
        %add3A_734 = arith.addi %mul3A_732, %add3A_733 : i32
        %get3A_735 = arith.index_cast %add3A_734 : i32 to index
        %get3A_736 = arith.index_cast %add3A_12 : i32 to index
        %get3A_737 = tpu.vector_load %arg5[%get3A_735, %get3A_736] {strides = array<i32>} : memref<64x512xf32, #tpu.memory_space<vmem>>, vector<16xf32>,
        %mul3A_738 = arith.constant 16 : i32
        %mul3A_739 = arith.muli %scan3A_136, %mul3A_738 : i32
        %add3A_740 = arith.constant 11 : i32
        %add3A_741 = arith.addi %mul3A_739, %add3A_740 : i32
        %add3A_742 = vector.broadcast %add3A_741 : i32 to vector<16xi32>
        %add3A_743 = arith.addi %broadcast_in_dim3A_50, %add3A_742 : vector<16xi32>
        %gt3A_744 = arith.cmpf ogt, %get3A_737, %max3A_692 : vector<16xf32>
        %max3A_745 = arith.maximumf %get3A_737, %max3A_692 : vector<16xf32>
        %min3A_746 = arith.minimumf %get3A_737, %max3A_692 : vector<16xf32>
        %select_n3A_747 = arith.select %gt3A_744, %add3A_743, %select_n3A_694 : vector<16xi1>, vector<16xi32>
        %select_n3A_748 = arith.select %gt3A_744, %select_n3A_694, %add3A_743 : vector<16xi1>, vector<16xi32>
        %gt3A_749 = arith.cmpf ogt, %min3A_746, %max3A_697 : vector<16xf32>
        %max3A_750 = arith.maximumf %min3A_746, %max3A_697 : vector<16xf32>
        %min3A_751 = arith.minimumf %min3A_746, %max3A_697 : vector<16xf32>
        %select_n3A_752 = arith.select %gt3A_749, %select_n3A_748, %select_n3A_699 : vector<16xi1>, vector<16xi32>
        %select_n3A_753 = arith.select %gt3A_749, %select_n3A_699, %select_n3A_748 : vector<16xi1>, vector<16xi32>
        %gt3A_754 = arith.cmpf ogt, %min3A_751, %max3A_702 : vector<16xf32>
        %max3A_755 = arith.maximumf %min3A_751, %max3A_702 : vector<16xf32>
        %min3A_756 = arith.minimumf %min3A_751, %max3A_702 : vector<16xf32>
        %select_n3A_757 = arith.select %gt3A_754, %select_n3A_753, %select_n3A_704 : vector<16xi1>, vector<16xi32>
        %select_n3A_758 = arith.select %gt3A_754, %select_n3A_704, %select_n3A_753 : vector<16xi1>, vector<16xi32>
        %gt3A_759 = arith.cmpf ogt, %min3A_756, %max3A_707 : vector<16xf32>
        %max3A_760 = arith.maximumf %min3A_756, %max3A_707 : vector<16xf32>
        %min3A_761 = arith.minimumf %min3A_756, %max3A_707 : vector<16xf32>
        %select_n3A_762 = arith.select %gt3A_759, %select_n3A_758, %select_n3A_709 : vector<16xi1>, vector<16xi32>
        %select_n3A_763 = arith.select %gt3A_759, %select_n3A_709, %select_n3A_758 : vector<16xi1>, vector<16xi32>
        %gt3A_764 = arith.cmpf ogt, %min3A_761, %max3A_712 : vector<16xf32>
        %max3A_765 = arith.maximumf %min3A_761, %max3A_712 : vector<16xf32>
        %min3A_766 = arith.minimumf %min3A_761, %max3A_712 : vector<16xf32>
        %select_n3A_767 = arith.select %gt3A_764, %select_n3A_763, %select_n3A_714 : vector<16xi1>, vector<16xi32>
        %select_n3A_768 = arith.select %gt3A_764, %select_n3A_714, %select_n3A_763 : vector<16xi1>, vector<16xi32>
        %gt3A_769 = arith.cmpf ogt, %min3A_766, %max3A_717 : vector<16xf32>
        %max3A_770 = arith.maximumf %min3A_766, %max3A_717 : vector<16xf32>
        %min3A_771 = arith.minimumf %min3A_766, %max3A_717 : vector<16xf32>
        %select_n3A_772 = arith.select %gt3A_769, %select_n3A_768, %select_n3A_719 : vector<16xi1>, vector<16xi32>
        %select_n3A_773 = arith.select %gt3A_769, %select_n3A_719, %select_n3A_768 : vector<16xi1>, vector<16xi32>
        %gt3A_774 = arith.cmpf ogt, %min3A_771, %max3A_722 : vector<16xf32>
        %max3A_775 = arith.maximumf %min3A_771, %max3A_722 : vector<16xf32>
        %min3A_776 = arith.minimumf %min3A_771, %max3A_722 : vector<16xf32>
        %select_n3A_777 = arith.select %gt3A_774, %select_n3A_773, %select_n3A_724 : vector<16xi1>, vector<16xi32>
        %select_n3A_778 = arith.select %gt3A_774, %select_n3A_724, %select_n3A_773 : vector<16xi1>, vector<16xi32>
        %gt3A_779 = arith.cmpf ogt, %min3A_776, %max3A_727 : vector<16xf32>
        %max3A_780 = arith.maximumf %min3A_776, %max3A_727 : vector<16xf32>
        %min3A_781 = arith.minimumf %min3A_776, %max3A_727 : vector<16xf32>
        %select_n3A_782 = arith.select %gt3A_779, %select_n3A_778, %select_n3A_729 : vector<16xi1>, vector<16xi32>
        %select_n3A_783 = arith.select %gt3A_779, %select_n3A_729, %select_n3A_778 : vector<16xi1>, vector<16xi32>
        %mul3A_784 = arith.constant 16 : i32
        %mul3A_785 = arith.muli %scan3A_136, %mul3A_784 : i32
        %add3A_786 = arith.constant 12 : i32
        %add3A_787 = arith.addi %mul3A_785, %add3A_786 : i32
        %get3A_788 = arith.index_cast %add3A_787 : i32 to index
        %get3A_789 = arith.index_cast %add3A_12 : i32 to index
        %get3A_790 = tpu.vector_load %arg5[%get3A_788, %get3A_789] {strides = array<i32>} : memref<64x512xf32, #tpu.memory_space<vmem>>, vector<16xf32>,
        %mul3A_791 = arith.constant 16 : i32
        %mul3A_792 = arith.muli %scan3A_136, %mul3A_791 : i32
        %add3A_793 = arith.constant 12 : i32
        %add3A_794 = arith.addi %mul3A_792, %add3A_793 : i32
        %add3A_795 = vector.broadcast %add3A_794 : i32 to vector<16xi32>
        %add3A_796 = arith.addi %broadcast_in_dim3A_50, %add3A_795 : vector<16xi32>
        %gt3A_797 = arith.cmpf ogt, %get3A_790, %max3A_745 : vector<16xf32>
        %max3A_798 = arith.maximumf %get3A_790, %max3A_745 : vector<16xf32>
        %min3A_799 = arith.minimumf %get3A_790, %max3A_745 : vector<16xf32>
        %select_n3A_800 = arith.select %gt3A_797, %add3A_796, %select_n3A_747 : vector<16xi1>, vector<16xi32>
        %select_n3A_801 = arith.select %gt3A_797, %select_n3A_747, %add3A_796 : vector<16xi1>, vector<16xi32>
        %gt3A_802 = arith.cmpf ogt, %min3A_799, %max3A_750 : vector<16xf32>
        %max3A_803 = arith.maximumf %min3A_799, %max3A_750 : vector<16xf32>
        %min3A_804 = arith.minimumf %min3A_799, %max3A_750 : vector<16xf32>
        %select_n3A_805 = arith.select %gt3A_802, %select_n3A_801, %select_n3A_752 : vector<16xi1>, vector<16xi32>
        %select_n3A_806 = arith.select %gt3A_802, %select_n3A_752, %select_n3A_801 : vector<16xi1>, vector<16xi32>
        %gt3A_807 = arith.cmpf ogt, %min3A_804, %max3A_755 : vector<16xf32>
        %max3A_808 = arith.maximumf %min3A_804, %max3A_755 : vector<16xf32>
        %min3A_809 = arith.minimumf %min3A_804, %max3A_755 : vector<16xf32>
        %select_n3A_810 = arith.select %gt3A_807, %select_n3A_806, %select_n3A_757 : vector<16xi1>, vector<16xi32>
        %select_n3A_811 = arith.select %gt3A_807, %select_n3A_757, %select_n3A_806 : vector<16xi1>, vector<16xi32>
        %gt3A_812 = arith.cmpf ogt, %min3A_809, %max3A_760 : vector<16xf32>
        %max3A_813 = arith.maximumf %min3A_809, %max3A_760 : vector<16xf32>
        %min3A_814 = arith.minimumf %min3A_809, %max3A_760 : vector<16xf32>
        %select_n3A_815 = arith.select %gt3A_812, %select_n3A_811, %select_n3A_762 : vector<16xi1>, vector<16xi32>
        %select_n3A_816 = arith.select %gt3A_812, %select_n3A_762, %select_n3A_811 : vector<16xi1>, vector<16xi32>
        %gt3A_817 = arith.cmpf ogt, %min3A_814, %max3A_765 : vector<16xf32>
        %max3A_818 = arith.maximumf %min3A_814, %max3A_765 : vector<16xf32>
        %min3A_819 = arith.minimumf %min3A_814, %max3A_765 : vector<16xf32>
        %select_n3A_820 = arith.select %gt3A_817, %select_n3A_816, %select_n3A_767 : vector<16xi1>, vector<16xi32>
        %select_n3A_821 = arith.select %gt3A_817, %select_n3A_767, %select_n3A_816 : vector<16xi1>, vector<16xi32>
        %gt3A_822 = arith.cmpf ogt, %min3A_819, %max3A_770 : vector<16xf32>
        %max3A_823 = arith.maximumf %min3A_819, %max3A_770 : vector<16xf32>
        %min3A_824 = arith.minimumf %min3A_819, %max3A_770 : vector<16xf32>
        %select_n3A_825 = arith.select %gt3A_822, %select_n3A_821, %select_n3A_772 : vector<16xi1>, vector<16xi32>
        %select_n3A_826 = arith.select %gt3A_822, %select_n3A_772, %select_n3A_821 : vector<16xi1>, vector<16xi32>
        %gt3A_827 = arith.cmpf ogt, %min3A_824, %max3A_775 : vector<16xf32>
        %max3A_828 = arith.maximumf %min3A_824, %max3A_775 : vector<16xf32>
        %min3A_829 = arith.minimumf %min3A_824, %max3A_775 : vector<16xf32>
        %select_n3A_830 = arith.select %gt3A_827, %select_n3A_826, %select_n3A_777 : vector<16xi1>, vector<16xi32>
        %select_n3A_831 = arith.select %gt3A_827, %select_n3A_777, %select_n3A_826 : vector<16xi1>, vector<16xi32>
        %gt3A_832 = arith.cmpf ogt, %min3A_829, %max3A_780 : vector<16xf32>
        %max3A_833 = arith.maximumf %min3A_829, %max3A_780 : vector<16xf32>
        %min3A_834 = arith.minimumf %min3A_829, %max3A_780 : vector<16xf32>
        %select_n3A_835 = arith.select %gt3A_832, %select_n3A_831, %select_n3A_782 : vector<16xi1>, vector<16xi32>
        %select_n3A_836 = arith.select %gt3A_832, %select_n3A_782, %select_n3A_831 : vector<16xi1>, vector<16xi32>
        %mul3A_837 = arith.constant 16 : i32
        %mul3A_838 = arith.muli %scan3A_136, %mul3A_837 : i32
        %add3A_839 = arith.constant 13 : i32
        %add3A_840 = arith.addi %mul3A_838, %add3A_839 : i32
        %get3A_841 = arith.index_cast %add3A_840 : i32 to index
        %get3A_842 = arith.index_cast %add3A_12 : i32 to index
        %get3A_843 = tpu.vector_load %arg5[%get3A_841, %get3A_842] {strides = array<i32>} : memref<64x512xf32, #tpu.memory_space<vmem>>, vector<16xf32>,
        %mul3A_844 = arith.constant 16 : i32
        %mul3A_845 = arith.muli %scan3A_136, %mul3A_844 : i32
        %add3A_846 = arith.constant 13 : i32
        %add3A_847 = arith.addi %mul3A_845, %add3A_846 : i32
        %add3A_848 = vector.broadcast %add3A_847 : i32 to vector<16xi32>
        %add3A_849 = arith.addi %broadcast_in_dim3A_50, %add3A_848 : vector<16xi32>
        %gt3A_850 = arith.cmpf ogt, %get3A_843, %max3A_798 : vector<16xf32>
        %max3A_851 = arith.maximumf %get3A_843, %max3A_798 : vector<16xf32>
        %min3A_852 = arith.minimumf %get3A_843, %max3A_798 : vector<16xf32>
        %select_n3A_853 = arith.select %gt3A_850, %add3A_849, %select_n3A_800 : vector<16xi1>, vector<16xi32>
        %select_n3A_854 = arith.select %gt3A_850, %select_n3A_800, %add3A_849 : vector<16xi1>, vector<16xi32>
        %gt3A_855 = arith.cmpf ogt, %min3A_852, %max3A_803 : vector<16xf32>
        %max3A_856 = arith.maximumf %min3A_852, %max3A_803 : vector<16xf32>
        %min3A_857 = arith.minimumf %min3A_852, %max3A_803 : vector<16xf32>
        %select_n3A_858 = arith.select %gt3A_855, %select_n3A_854, %select_n3A_805 : vector<16xi1>, vector<16xi32>
        %select_n3A_859 = arith.select %gt3A_855, %select_n3A_805, %select_n3A_854 : vector<16xi1>, vector<16xi32>
        %gt3A_860 = arith.cmpf ogt, %min3A_857, %max3A_808 : vector<16xf32>
        %max3A_861 = arith.maximumf %min3A_857, %max3A_808 : vector<16xf32>
        %min3A_862 = arith.minimumf %min3A_857, %max3A_808 : vector<16xf32>
        %select_n3A_863 = arith.select %gt3A_860, %select_n3A_859, %select_n3A_810 : vector<16xi1>, vector<16xi32>
        %select_n3A_864 = arith.select %gt3A_860, %select_n3A_810, %select_n3A_859 : vector<16xi1>, vector<16xi32>
        %gt3A_865 = arith.cmpf ogt, %min3A_862, %max3A_813 : vector<16xf32>
        %max3A_866 = arith.maximumf %min3A_862, %max3A_813 : vector<16xf32>
        %min3A_867 = arith.minimumf %min3A_862, %max3A_813 : vector<16xf32>
        %select_n3A_868 = arith.select %gt3A_865, %select_n3A_864, %select_n3A_815 : vector<16xi1>, vector<16xi32>
        %select_n3A_869 = arith.select %gt3A_865, %select_n3A_815, %select_n3A_864 : vector<16xi1>, vector<16xi32>
        %gt3A_870 = arith.cmpf ogt, %min3A_867, %max3A_818 : vector<16xf32>
        %max3A_871 = arith.maximumf %min3A_867, %max3A_818 : vector<16xf32>
        %min3A_872 = arith.minimumf %min3A_867, %max3A_818 : vector<16xf32>
        %select_n3A_873 = arith.select %gt3A_870, %select_n3A_869, %select_n3A_820 : vector<16xi1>, vector<16xi32>
        %select_n3A_874 = arith.select %gt3A_870, %select_n3A_820, %select_n3A_869 : vector<16xi1>, vector<16xi32>
        %gt3A_875 = arith.cmpf ogt, %min3A_872, %max3A_823 : vector<16xf32>
        %max3A_876 = arith.maximumf %min3A_872, %max3A_823 : vector<16xf32>
        %min3A_877 = arith.minimumf %min3A_872, %max3A_823 : vector<16xf32>
        %select_n3A_878 = arith.select %gt3A_875, %select_n3A_874, %select_n3A_825 : vector<16xi1>, vector<16xi32>
        %select_n3A_879 = arith.select %gt3A_875, %select_n3A_825, %select_n3A_874 : vector<16xi1>, vector<16xi32>
        %gt3A_880 = arith.cmpf ogt, %min3A_877, %max3A_828 : vector<16xf32>
        %max3A_881 = arith.maximumf %min3A_877, %max3A_828 : vector<16xf32>
        %min3A_882 = arith.minimumf %min3A_877, %max3A_828 : vector<16xf32>
        %select_n3A_883 = arith.select %gt3A_880, %select_n3A_879, %select_n3A_830 : vector<16xi1>, vector<16xi32>
        %select_n3A_884 = arith.select %gt3A_880, %select_n3A_830, %select_n3A_879 : vector<16xi1>, vector<16xi32>
        %gt3A_885 = arith.cmpf ogt, %min3A_882, %max3A_833 : vector<16xf32>
        %max3A_886 = arith.maximumf %min3A_882, %max3A_833 : vector<16xf32>
        %min3A_887 = arith.minimumf %min3A_882, %max3A_833 : vector<16xf32>
        %select_n3A_888 = arith.select %gt3A_885, %select_n3A_884, %select_n3A_835 : vector<16xi1>, vector<16xi32>
        %select_n3A_889 = arith.select %gt3A_885, %select_n3A_835, %select_n3A_884 : vector<16xi1>, vector<16xi32>
        %mul3A_890 = arith.constant 16 : i32
        %mul3A_891 = arith.muli %scan3A_136, %mul3A_890 : i32
        %add3A_892 = arith.constant 14 : i32
        %add3A_893 = arith.addi %mul3A_891, %add3A_892 : i32
        %get3A_894 = arith.index_cast %add3A_893 : i32 to index
        %get3A_895 = arith.index_cast %add3A_12 : i32 to index
        %get3A_896 = tpu.vector_load %arg5[%get3A_894, %get3A_895] {strides = array<i32>} : memref<64x512xf32, #tpu.memory_space<vmem>>, vector<16xf32>,
        %mul3A_897 = arith.constant 16 : i32
        %mul3A_898 = arith.muli %scan3A_136, %mul3A_897 : i32
        %add3A_899 = arith.constant 14 : i32
        %add3A_900 = arith.addi %mul3A_898, %add3A_899 : i32
        %add3A_901 = vector.broadcast %add3A_900 : i32 to vector<16xi32>
        %add3A_902 = arith.addi %broadcast_in_dim3A_50, %add3A_901 : vector<16xi32>
        %gt3A_903 = arith.cmpf ogt, %get3A_896, %max3A_851 : vector<16xf32>
        %max3A_904 = arith.maximumf %get3A_896, %max3A_851 : vector<16xf32>
        %min3A_905 = arith.minimumf %get3A_896, %max3A_851 : vector<16xf32>
        %select_n3A_906 = arith.select %gt3A_903, %add3A_902, %select_n3A_853 : vector<16xi1>, vector<16xi32>
        %select_n3A_907 = arith.select %gt3A_903, %select_n3A_853, %add3A_902 : vector<16xi1>, vector<16xi32>
        %gt3A_908 = arith.cmpf ogt, %min3A_905, %max3A_856 : vector<16xf32>
        %max3A_909 = arith.maximumf %min3A_905, %max3A_856 : vector<16xf32>
        %min3A_910 = arith.minimumf %min3A_905, %max3A_856 : vector<16xf32>
        %select_n3A_911 = arith.select %gt3A_908, %select_n3A_907, %select_n3A_858 : vector<16xi1>, vector<16xi32>
        %select_n3A_912 = arith.select %gt3A_908, %select_n3A_858, %select_n3A_907 : vector<16xi1>, vector<16xi32>
        %gt3A_913 = arith.cmpf ogt, %min3A_910, %max3A_861 : vector<16xf32>
        %max3A_914 = arith.maximumf %min3A_910, %max3A_861 : vector<16xf32>
        %min3A_915 = arith.minimumf %min3A_910, %max3A_861 : vector<16xf32>
        %select_n3A_916 = arith.select %gt3A_913, %select_n3A_912, %select_n3A_863 : vector<16xi1>, vector<16xi32>
        %select_n3A_917 = arith.select %gt3A_913, %select_n3A_863, %select_n3A_912 : vector<16xi1>, vector<16xi32>
        %gt3A_918 = arith.cmpf ogt, %min3A_915, %max3A_866 : vector<16xf32>
        %max3A_919 = arith.maximumf %min3A_915, %max3A_866 : vector<16xf32>
        %min3A_920 = arith.minimumf %min3A_915, %max3A_866 : vector<16xf32>
        %select_n3A_921 = arith.select %gt3A_918, %select_n3A_917, %select_n3A_868 : vector<16xi1>, vector<16xi32>
        %select_n3A_922 = arith.select %gt3A_918, %select_n3A_868, %select_n3A_917 : vector<16xi1>, vector<16xi32>
        %gt3A_923 = arith.cmpf ogt, %min3A_920, %max3A_871 : vector<16xf32>
        %max3A_924 = arith.maximumf %min3A_920, %max3A_871 : vector<16xf32>
        %min3A_925 = arith.minimumf %min3A_920, %max3A_871 : vector<16xf32>
        %select_n3A_926 = arith.select %gt3A_923, %select_n3A_922, %select_n3A_873 : vector<16xi1>, vector<16xi32>
        %select_n3A_927 = arith.select %gt3A_923, %select_n3A_873, %select_n3A_922 : vector<16xi1>, vector<16xi32>
        %gt3A_928 = arith.cmpf ogt, %min3A_925, %max3A_876 : vector<16xf32>
        %max3A_929 = arith.maximumf %min3A_925, %max3A_876 : vector<16xf32>
        %min3A_930 = arith.minimumf %min3A_925, %max3A_876 : vector<16xf32>
        %select_n3A_931 = arith.select %gt3A_928, %select_n3A_927, %select_n3A_878 : vector<16xi1>, vector<16xi32>
        %select_n3A_932 = arith.select %gt3A_928, %select_n3A_878, %select_n3A_927 : vector<16xi1>, vector<16xi32>
        %gt3A_933 = arith.cmpf ogt, %min3A_930, %max3A_881 : vector<16xf32>
        %max3A_934 = arith.maximumf %min3A_930, %max3A_881 : vector<16xf32>
        %min3A_935 = arith.minimumf %min3A_930, %max3A_881 : vector<16xf32>
        %select_n3A_936 = arith.select %gt3A_933, %select_n3A_932, %select_n3A_883 : vector<16xi1>, vector<16xi32>
        %select_n3A_937 = arith.select %gt3A_933, %select_n3A_883, %select_n3A_932 : vector<16xi1>, vector<16xi32>
        %gt3A_938 = arith.cmpf ogt, %min3A_935, %max3A_886 : vector<16xf32>
        %max3A_939 = arith.maximumf %min3A_935, %max3A_886 : vector<16xf32>
        %min3A_940 = arith.minimumf %min3A_935, %max3A_886 : vector<16xf32>
        %select_n3A_941 = arith.select %gt3A_938, %select_n3A_937, %select_n3A_888 : vector<16xi1>, vector<16xi32>
        %select_n3A_942 = arith.select %gt3A_938, %select_n3A_888, %select_n3A_937 : vector<16xi1>, vector<16xi32>
        %mul3A_943 = arith.constant 16 : i32
        %mul3A_944 = arith.muli %scan3A_136, %mul3A_943 : i32
        %add3A_945 = arith.constant 15 : i32
        %add3A_946 = arith.addi %mul3A_944, %add3A_945 : i32
        %get3A_947 = arith.index_cast %add3A_946 : i32 to index
        %get3A_948 = arith.index_cast %add3A_12 : i32 to index
        %get3A_949 = tpu.vector_load %arg5[%get3A_947, %get3A_948] {strides = array<i32>} : memref<64x512xf32, #tpu.memory_space<vmem>>, vector<16xf32>,
        %mul3A_950 = arith.constant 16 : i32
        %mul3A_951 = arith.muli %scan3A_136, %mul3A_950 : i32
        %add3A_952 = arith.constant 15 : i32
        %add3A_953 = arith.addi %mul3A_951, %add3A_952 : i32
        %add3A_954 = vector.broadcast %add3A_953 : i32 to vector<16xi32>
        %add3A_955 = arith.addi %broadcast_in_dim3A_50, %add3A_954 : vector<16xi32>
        %gt3A_956 = arith.cmpf ogt, %get3A_949, %max3A_904 : vector<16xf32>
        %max3A_957 = arith.maximumf %get3A_949, %max3A_904 : vector<16xf32>
        %min3A_958 = arith.minimumf %get3A_949, %max3A_904 : vector<16xf32>
        %select_n3A_959 = arith.select %gt3A_956, %add3A_955, %select_n3A_906 : vector<16xi1>, vector<16xi32>
        %select_n3A_960 = arith.select %gt3A_956, %select_n3A_906, %add3A_955 : vector<16xi1>, vector<16xi32>
        %gt3A_961 = arith.cmpf ogt, %min3A_958, %max3A_909 : vector<16xf32>
        %max3A_962 = arith.maximumf %min3A_958, %max3A_909 : vector<16xf32>
        %min3A_963 = arith.minimumf %min3A_958, %max3A_909 : vector<16xf32>
        %select_n3A_964 = arith.select %gt3A_961, %select_n3A_960, %select_n3A_911 : vector<16xi1>, vector<16xi32>
        %select_n3A_965 = arith.select %gt3A_961, %select_n3A_911, %select_n3A_960 : vector<16xi1>, vector<16xi32>
        %gt3A_966 = arith.cmpf ogt, %min3A_963, %max3A_914 : vector<16xf32>
        %max3A_967 = arith.maximumf %min3A_963, %max3A_914 : vector<16xf32>
        %min3A_968 = arith.minimumf %min3A_963, %max3A_914 : vector<16xf32>
        %select_n3A_969 = arith.select %gt3A_966, %select_n3A_965, %select_n3A_916 : vector<16xi1>, vector<16xi32>
        %select_n3A_970 = arith.select %gt3A_966, %select_n3A_916, %select_n3A_965 : vector<16xi1>, vector<16xi32>
        %gt3A_971 = arith.cmpf ogt, %min3A_968, %max3A_919 : vector<16xf32>
        %max3A_972 = arith.maximumf %min3A_968, %max3A_919 : vector<16xf32>
        %min3A_973 = arith.minimumf %min3A_968, %max3A_919 : vector<16xf32>
        %select_n3A_974 = arith.select %gt3A_971, %select_n3A_970, %select_n3A_921 : vector<16xi1>, vector<16xi32>
        %select_n3A_975 = arith.select %gt3A_971, %select_n3A_921, %select_n3A_970 : vector<16xi1>, vector<16xi32>
        %gt3A_976 = arith.cmpf ogt, %min3A_973, %max3A_924 : vector<16xf32>
        %max3A_977 = arith.maximumf %min3A_973, %max3A_924 : vector<16xf32>
        %min3A_978 = arith.minimumf %min3A_973, %max3A_924 : vector<16xf32>
        %select_n3A_979 = arith.select %gt3A_976, %select_n3A_975, %select_n3A_926 : vector<16xi1>, vector<16xi32>
        %select_n3A_980 = arith.select %gt3A_976, %select_n3A_926, %select_n3A_975 : vector<16xi1>, vector<16xi32>
        %gt3A_981 = arith.cmpf ogt, %min3A_978, %max3A_929 : vector<16xf32>
        %max3A_982 = arith.maximumf %min3A_978, %max3A_929 : vector<16xf32>
        %min3A_983 = arith.minimumf %min3A_978, %max3A_929 : vector<16xf32>
        %select_n3A_984 = arith.select %gt3A_981, %select_n3A_980, %select_n3A_931 : vector<16xi1>, vector<16xi32>
        %select_n3A_985 = arith.select %gt3A_981, %select_n3A_931, %select_n3A_980 : vector<16xi1>, vector<16xi32>
        %gt3A_986 = arith.cmpf ogt, %min3A_983, %max3A_934 : vector<16xf32>
        %max3A_987 = arith.maximumf %min3A_983, %max3A_934 : vector<16xf32>
        %min3A_988 = arith.minimumf %min3A_983, %max3A_934 : vector<16xf32>
        %select_n3A_989 = arith.select %gt3A_986, %select_n3A_985, %select_n3A_936 : vector<16xi1>, vector<16xi32>
        %select_n3A_990 = arith.select %gt3A_986, %select_n3A_936, %select_n3A_985 : vector<16xi1>, vector<16xi32>
        %gt3A_991 = arith.cmpf ogt, %min3A_988, %max3A_939 : vector<16xf32>
        %max3A_992 = arith.maximumf %min3A_988, %max3A_939 : vector<16xf32>
        %min3A_993 = arith.minimumf %min3A_988, %max3A_939 : vector<16xf32>
        %select_n3A_994 = arith.select %gt3A_991, %select_n3A_990, %select_n3A_941 : vector<16xi1>, vector<16xi32>
        %select_n3A_995 = arith.select %gt3A_991, %select_n3A_941, %select_n3A_990 : vector<16xi1>, vector<16xi32>
        scf.yield %max3A_957, %max3A_962, %max3A_967, %max3A_972, %max3A_977, %max3A_982, %max3A_987, %max3A_992, %select_n3A_959, %select_n3A_964, %select_n3A_969, %select_n3A_974, %select_n3A_979, %select_n3A_984, %select_n3A_989, %select_n3A_994 : vector<16xf32>, vector<16xf32>, vector<16xf32>, vector<16xf32>, vector<16xf32>, vector<16xf32>, vector<16xf32>, vector<16xf32>, vector<16xi32>, vector<16xi32>, vector<16xi32>, vector<16xi32>, vector<16xi32>, vector<16xi32>, vector<16xi32>, vector<16xi32>
      }
      %scan3A_56 = arith.constant 4 : i32
      %sub3A = arith.subf %scan3A_55#0, %scan3A_55#0 : vector<16xf32>
      %exp3A = math.exp %sub3A : vector<16xf32>
      %sub3A_57 = arith.subf %scan3A_55#1, %scan3A_55#0 : vector<16xf32>
      %exp3A_58 = math.exp %sub3A_57 : vector<16xf32>
      %sub3A_59 = arith.subf %scan3A_55#2, %scan3A_55#0 : vector<16xf32>
      %exp3A_60 = math.exp %sub3A_59 : vector<16xf32>
      %sub3A_61 = arith.subf %scan3A_55#3, %scan3A_55#0 : vector<16xf32>
      %exp3A_62 = math.exp %sub3A_61 : vector<16xf32>
      %sub3A_63 = arith.subf %scan3A_55#4, %scan3A_55#0 : vector<16xf32>
      %exp3A_64 = math.exp %sub3A_63 : vector<16xf32>
      %sub3A_65 = arith.subf %scan3A_55#5, %scan3A_55#0 : vector<16xf32>
      %exp3A_66 = math.exp %sub3A_65 : vector<16xf32>
      %sub3A_67 = arith.subf %scan3A_55#6, %scan3A_55#0 : vector<16xf32>
      %exp3A_68 = math.exp %sub3A_67 : vector<16xf32>
      %sub3A_69 = arith.subf %scan3A_55#7, %scan3A_55#0 : vector<16xf32>
      %exp3A_70 = math.exp %sub3A_69 : vector<16xf32>
      %add3A_71 = arith.addf %exp3A, %exp3A_58 : vector<16xf32>
      %add3A_72 = arith.addf %add3A_71, %exp3A_60 : vector<16xf32>
      %add3A_73 = arith.addf %add3A_72, %exp3A_62 : vector<16xf32>
      %add3A_74 = arith.addf %add3A_73, %exp3A_64 : vector<16xf32>
      %add3A_75 = arith.addf %add3A_74, %exp3A_66 : vector<16xf32>
      %add3A_76 = arith.addf %add3A_75, %exp3A_68 : vector<16xf32>
      %add3A_77 = arith.addf %add3A_76, %exp3A_70 : vector<16xf32>
      %div3A = arith.constant 1.000000e+00 : f32
      %div3A_78 = vector.broadcast %div3A : f32 to vector<16xf32>
      %div3A_79 = arith.divf %div3A_78, %add3A_77 : vector<16xf32>
      %add3A_80 = arith.constant 0 : i32
      %add3A_81 = vector.broadcast %add3A_80 : i32 to vector<16xi32>
      %add3A_82 = arith.addi %mul3A_17, %add3A_81 : vector<16xi32>
      %mul3A_83 = arith.mulf %exp3A, %div3A_79 : vector<16xf32>
      tpu.vector_store_idx %arg7[%add3A_82], %mul3A_83 : memref<4096xf32, #tpu.memory_space<vmem>>[vector<16xi32>], vector<16xf32>,
      %add3A_84 = arith.constant 0 : i32
      %add3A_85 = vector.broadcast %add3A_84 : i32 to vector<16xi32>
      %add3A_86 = arith.addi %mul3A_17, %add3A_85 : vector<16xi32>
      tpu.vector_store_idx %arg6[%add3A_86], %scan3A_55#8 : memref<4096xi32, #tpu.memory_space<vmem>>[vector<16xi32>], vector<16xi32>,
      %add3A_87 = arith.constant 1 : i32
      %add3A_88 = vector.broadcast %add3A_87 : i32 to vector<16xi32>
      %add3A_89 = arith.addi %mul3A_17, %add3A_88 : vector<16xi32>
      %mul3A_90 = arith.mulf %exp3A_58, %div3A_79 : vector<16xf32>
      tpu.vector_store_idx %arg7[%add3A_89], %mul3A_90 : memref<4096xf32, #tpu.memory_space<vmem>>[vector<16xi32>], vector<16xf32>,
      %add3A_91 = arith.constant 1 : i32
      %add3A_92 = vector.broadcast %add3A_91 : i32 to vector<16xi32>
      %add3A_93 = arith.addi %mul3A_17, %add3A_92 : vector<16xi32>
      tpu.vector_store_idx %arg6[%add3A_93], %scan3A_55#9 : memref<4096xi32, #tpu.memory_space<vmem>>[vector<16xi32>], vector<16xi32>,
      %add3A_94 = arith.constant 2 : i32
      %add3A_95 = vector.broadcast %add3A_94 : i32 to vector<16xi32>
      %add3A_96 = arith.addi %mul3A_17, %add3A_95 : vector<16xi32>
      %mul3A_97 = arith.mulf %exp3A_60, %div3A_79 : vector<16xf32>
      tpu.vector_store_idx %arg7[%add3A_96], %mul3A_97 : memref<4096xf32, #tpu.memory_space<vmem>>[vector<16xi32>], vector<16xf32>,
      %add3A_98 = arith.constant 2 : i32
      %add3A_99 = vector.broadcast %add3A_98 : i32 to vector<16xi32>
      %add3A_100 = arith.addi %mul3A_17, %add3A_99 : vector<16xi32>
      tpu.vector_store_idx %arg6[%add3A_100], %scan3A_55#10 : memref<4096xi32, #tpu.memory_space<vmem>>[vector<16xi32>], vector<16xi32>,
      %add3A_101 = arith.constant 3 : i32
      %add3A_102 = vector.broadcast %add3A_101 : i32 to vector<16xi32>
      %add3A_103 = arith.addi %mul3A_17, %add3A_102 : vector<16xi32>
      %mul3A_104 = arith.mulf %exp3A_62, %div3A_79 : vector<16xf32>
      tpu.vector_store_idx %arg7[%add3A_103], %mul3A_104 : memref<4096xf32, #tpu.memory_space<vmem>>[vector<16xi32>], vector<16xf32>,
      %add3A_105 = arith.constant 3 : i32
      %add3A_106 = vector.broadcast %add3A_105 : i32 to vector<16xi32>
      %add3A_107 = arith.addi %mul3A_17, %add3A_106 : vector<16xi32>
      tpu.vector_store_idx %arg6[%add3A_107], %scan3A_55#11 : memref<4096xi32, #tpu.memory_space<vmem>>[vector<16xi32>], vector<16xi32>,
      %add3A_108 = arith.constant 4 : i32
      %add3A_109 = vector.broadcast %add3A_108 : i32 to vector<16xi32>
      %add3A_110 = arith.addi %mul3A_17, %add3A_109 : vector<16xi32>
      %mul3A_111 = arith.mulf %exp3A_64, %div3A_79 : vector<16xf32>
      tpu.vector_store_idx %arg7[%add3A_110], %mul3A_111 : memref<4096xf32, #tpu.memory_space<vmem>>[vector<16xi32>], vector<16xf32>,
      %add3A_112 = arith.constant 4 : i32
      %add3A_113 = vector.broadcast %add3A_112 : i32 to vector<16xi32>
      %add3A_114 = arith.addi %mul3A_17, %add3A_113 : vector<16xi32>
      tpu.vector_store_idx %arg6[%add3A_114], %scan3A_55#12 : memref<4096xi32, #tpu.memory_space<vmem>>[vector<16xi32>], vector<16xi32>,
      %add3A_115 = arith.constant 5 : i32
      %add3A_116 = vector.broadcast %add3A_115 : i32 to vector<16xi32>
      %add3A_117 = arith.addi %mul3A_17, %add3A_116 : vector<16xi32>
      %mul3A_118 = arith.mulf %exp3A_66, %div3A_79 : vector<16xf32>
      tpu.vector_store_idx %arg7[%add3A_117], %mul3A_118 : memref<4096xf32, #tpu.memory_space<vmem>>[vector<16xi32>], vector<16xf32>,
      %add3A_119 = arith.constant 5 : i32
      %add3A_120 = vector.broadcast %add3A_119 : i32 to vector<16xi32>
      %add3A_121 = arith.addi %mul3A_17, %add3A_120 : vector<16xi32>
      tpu.vector_store_idx %arg6[%add3A_121], %scan3A_55#13 : memref<4096xi32, #tpu.memory_space<vmem>>[vector<16xi32>], vector<16xi32>,
      %add3A_122 = arith.constant 6 : i32
      %add3A_123 = vector.broadcast %add3A_122 : i32 to vector<16xi32>
      %add3A_124 = arith.addi %mul3A_17, %add3A_123 : vector<16xi32>
      %mul3A_125 = arith.mulf %exp3A_68, %div3A_79 : vector<16xf32>
      tpu.vector_store_idx %arg7[%add3A_124], %mul3A_125 : memref<4096xf32, #tpu.memory_space<vmem>>[vector<16xi32>], vector<16xf32>,
      %add3A_126 = arith.constant 6 : i32
      %add3A_127 = vector.broadcast %add3A_126 : i32 to vector<16xi32>
      %add3A_128 = arith.addi %mul3A_17, %add3A_127 : vector<16xi32>
      tpu.vector_store_idx %arg6[%add3A_128], %scan3A_55#14 : memref<4096xi32, #tpu.memory_space<vmem>>[vector<16xi32>], vector<16xi32>,
      %add3A_129 = arith.constant 7 : i32
      %add3A_130 = vector.broadcast %add3A_129 : i32 to vector<16xi32>
      %add3A_131 = arith.addi %mul3A_17, %add3A_130 : vector<16xi32>
      %mul3A_132 = arith.mulf %exp3A_70, %div3A_79 : vector<16xf32>
      tpu.vector_store_idx %arg7[%add3A_131], %mul3A_132 : memref<4096xf32, #tpu.memory_space<vmem>>[vector<16xi32>], vector<16xf32>,
      %add3A_133 = arith.constant 7 : i32
      %add3A_134 = vector.broadcast %add3A_133 : i32 to vector<16xi32>
      %add3A_135 = arith.addi %mul3A_17, %add3A_134 : vector<16xi32>
      tpu.vector_store_idx %arg6[%add3A_135], %scan3A_55#15 : memref<4096xi32, #tpu.memory_space<vmem>>[vector<16xi32>], vector<16xi32>,
    }
    %scan3A_5 = arith.constant 32 : i32
    %mul3A_6 = arith.constant 4096 : i32
    %mul3A_7 = arith.muli %add3A, %mul3A_6 : i32
    "tpu.region"() ({
      %run_scoped3A = tpu.sem_alloc : memref<!tpu.dma_semaphore, #tpu.memory_space<semaphore_mem>>
      %dma_start3A = tpu.memref_slice %arg3[%mul3A_7] : memref<131072xi32, #tpu.memory_space<hbm>> -> memref<4096xi32, #tpu.memory_space<hbm>>
      %dma_start3A_8 = tpu.memref_slice %arg3[%mul3A_7] : memref<131072xi32, #tpu.memory_space<hbm>> -> memref<4096xi32, #tpu.memory_space<hbm>>
      tpu.enqueue_dma source(%arg6 : memref<4096xi32, #tpu.memory_space<vmem>>) target(%dma_start3A_8 : memref<4096xi32, #tpu.memory_space<hbm>>) target_semaphore(%run_scoped3A : memref<!tpu.dma_semaphore, #tpu.memory_space<semaphore_mem>>)
      %dma_wait3A = tpu.memref_slice %arg3[%mul3A_7] : memref<131072xi32, #tpu.memory_space<hbm>> -> memref<4096xi32, #tpu.memory_space<hbm>>
      %dma_wait3A_9 = tpu.memref_slice %arg3[%mul3A_7] : memref<131072xi32, #tpu.memory_space<hbm>> -> memref<4096xi32, #tpu.memory_space<hbm>>
      tpu.wait_dma2 semaphore(%run_scoped3A : memref<!tpu.dma_semaphore, #tpu.memory_space<semaphore_mem>>) src(%arg6 : memref<4096xi32, #tpu.memory_space<vmem>>) dst(%dma_wait3A_9 : memref<4096xi32, #tpu.memory_space<hbm>>)
      tpu.yield
    }) : () -> ()
    "tpu.region"() ({
      %run_scoped3A = tpu.sem_alloc : memref<!tpu.dma_semaphore, #tpu.memory_space<semaphore_mem>>
      %dma_start3A = tpu.memref_slice %arg4[%mul3A_7] : memref<131072xf32, #tpu.memory_space<hbm>> -> memref<4096xf32, #tpu.memory_space<hbm>>
      %dma_start3A_8 = tpu.memref_slice %arg4[%mul3A_7] : memref<131072xf32, #tpu.memory_space<hbm>> -> memref<4096xf32, #tpu.memory_space<hbm>>
      tpu.enqueue_dma source(%arg7 : memref<4096xf32, #tpu.memory_space<vmem>>) target(%dma_start3A_8 : memref<4096xf32, #tpu.memory_space<hbm>>) target_semaphore(%run_scoped3A : memref<!tpu.dma_semaphore, #tpu.memory_space<semaphore_mem>>)
      %dma_wait3A = tpu.memref_slice %arg4[%mul3A_7] : memref<131072xf32, #tpu.memory_space<hbm>> -> memref<4096xf32, #tpu.memory_space<hbm>>
      %dma_wait3A_9 = tpu.memref_slice %arg4[%mul3A_7] : memref<131072xf32, #tpu.memory_space<hbm>> -> memref<4096xf32, #tpu.memory_space<hbm>>
      tpu.wait_dma2 semaphore(%run_scoped3A : memref<!tpu.dma_semaphore, #tpu.memory_space<semaphore_mem>>) src(%arg7 : memref<4096xf32, #tpu.memory_space<vmem>>) dst(%dma_wait3A_9 : memref<4096xf32, #tpu.memory_space<hbm>>)
      tpu.yield
    }) : () -> ()
    return
  }
}

module attributes {stable_mosaic.version = 14 : i64} {
  func.func @_tc_scores_body(%arg0: i32, %arg1: memref<512x2048xf32, #tpu.memory_space<vmem>>, %arg2: memref<16x2048xf32, #tpu.memory_space<vmem>>, %arg3: memref<64x16xf32, #tpu.memory_space<vmem>>, %arg4: memref<512x64xf32, #tpu.memory_space<vmem>>, %arg5: memref<1x64x512xf32, #tpu.memory_space<vmem>>) attributes {dimension_semantics = [#tpu.dimension_semantics<arbitrary>], iteration_bounds = array<i64: 32>, scalar_prefetch = 0 : i64, scratch_operands = 0 : i64, tpu.core_type = #tpu.core_type<tc>, window_params = [{transform_indices = @transform_0, window_bounds = array<i64: 512, 2048>}, {pipeline_mode = #tpu.pipeline_mode<synchronous>, transform_indices = @transform_1, window_bounds = array<i64: 16, 2048>}, {pipeline_mode = #tpu.pipeline_mode<synchronous>, transform_indices = @transform_2, window_bounds = array<i64: 64, 16>}, {transform_indices = @transform_3, window_bounds = array<i64: 512, 64>}, {transform_indices = @transform_4, window_bounds = array<i64: 1, 64, 512>}]} {
    %get3A = arith.constant 0 : index
    %get3A_0 = arith.constant 0 : index
    %get3A_1 = vector.load %arg1[%get3A, %get3A_0] : memref<512x2048xf32, #tpu.memory_space<vmem>>, vector<512x2048xf32>
    %get3A_2 = arith.constant 0 : index
    %get3A_3 = arith.constant 0 : index
    %get3A_4 = vector.load %arg2[%get3A_2, %get3A_3] : memref<16x2048xf32, #tpu.memory_space<vmem>>, vector<16x2048xf32>
    %dot_general3A = arith.constant dense<0.000000e+00> : vector<512x16xf32>
    %dot_general3A_5 = tpu.matmul %get3A_1, %get3A_4, %dot_general3A {dimension_numbers = #tpu.dot_dimension_numbers<[1], [1], [0], [0], [0, 0, 1, 0], [], []>, transpose_lhs_hint = false} : vector<512x2048xf32>, vector<16x2048xf32>, vector<512x16xf32> -> vector<512x16xf32>
    %mul3A = arith.mulf %dot_general3A_5, %dot_general3A_5 : vector<512x16xf32>
    %reduce_sum3A = arith.constant dense<0.000000e+00> : vector<512xf32>
    %reduce_sum3A_6 = vector.multi_reduction <add>, %mul3A, %reduce_sum3A [1] : vector<512x16xf32> to vector<512xf32>
    %broadcast_in_dim3A = vector.shape_cast %reduce_sum3A_6 : vector<512xf32> to vector<512x1xf32>
    %max3A = arith.constant 1.000000e-24 : f32
    %max3A_7 = vector.broadcast %max3A : f32 to vector<512x1xf32>
    %max3A_8 = arith.maximumf %broadcast_in_dim3A, %max3A_7 : vector<512x1xf32>
    %rsqrt3A = math.rsqrt %max3A_8 : vector<512x1xf32>
    %mul3A_9 = vector.broadcast %rsqrt3A : vector<512x1xf32> to vector<512x16xf32>
    %mul3A_10 = arith.mulf %dot_general3A_5, %mul3A_9 : vector<512x16xf32>
    %get3A_11 = arith.constant 0 : index
    %get3A_12 = arith.constant 0 : index
    %get3A_13 = vector.load %arg3[%get3A_11, %get3A_12] : memref<64x16xf32, #tpu.memory_space<vmem>>, vector<64x16xf32>
    %mul3A_14 = arith.mulf %get3A_13, %get3A_13 : vector<64x16xf32>
    %reduce_sum3A_15 = arith.constant dense<0.000000e+00> : vector<64xf32>
    %reduce_sum3A_16 = vector.multi_reduction <add>, %mul3A_14, %reduce_sum3A_15 [1] : vector<64x16xf32> to vector<64xf32>
    %broadcast_in_dim3A_17 = vector.shape_cast %reduce_sum3A_16 : vector<64xf32> to vector<64x1xf32>
    %max3A_18 = arith.constant 1.000000e-24 : f32
    %max3A_19 = vector.broadcast %max3A_18 : f32 to vector<64x1xf32>
    %max3A_20 = arith.maximumf %broadcast_in_dim3A_17, %max3A_19 : vector<64x1xf32>
    %rsqrt3A_21 = math.rsqrt %max3A_20 : vector<64x1xf32>
    %mul3A_22 = vector.broadcast %rsqrt3A_21 : vector<64x1xf32> to vector<64x16xf32>
    %mul3A_23 = arith.mulf %get3A_13, %mul3A_22 : vector<64x16xf32>
    %dot_general3A_24 = arith.constant dense<0.000000e+00> : vector<512x64xf32>
    %dot_general3A_25 = tpu.matmul %mul3A_10, %mul3A_23, %dot_general3A_24 {dimension_numbers = #tpu.dot_dimension_numbers<[1], [1], [0], [0], [0, 0, 1, 0], [], []>, transpose_lhs_hint = false} : vector<512x16xf32>, vector<64x16xf32>, vector<512x64xf32> -> vector<512x64xf32>
    %swap3A = arith.constant 0 : index
    %swap3A_26 = arith.constant 0 : index
    %swap3A_27 = vector.load %arg4[%swap3A, %swap3A_26] : memref<512x64xf32, #tpu.memory_space<vmem>>, vector<512x64xf32>
    tpu.vector_store %arg4[%swap3A, %swap3A_26], %dot_general3A_25 {strides = array<i32>} : memref<512x64xf32, #tpu.memory_space<vmem>>, vector<512x64xf32>,
    %dot_general3A_28 = arith.constant dense<0.000000e+00> : vector<64x512xf32>
    %dot_general3A_29 = tpu.matmul %mul3A_23, %mul3A_10, %dot_general3A_28 {dimension_numbers = #tpu.dot_dimension_numbers<[1], [1], [0], [0], [0, 0, 1, 0], [], []>, transpose_lhs_hint = false} : vector<64x16xf32>, vector<512x16xf32>, vector<64x512xf32> -> vector<64x512xf32>
    %broadcast_in_dim3A_30 = vector.shape_cast %dot_general3A_29 : vector<64x512xf32> to vector<1x64x512xf32>
    %swap3A_31 = arith.constant 0 : index
    %swap3A_32 = arith.constant 0 : index
    %swap3A_33 = arith.constant 0 : index
    %swap3A_34 = vector.load %arg5[%swap3A_31, %swap3A_32, %swap3A_33] : memref<1x64x512xf32, #tpu.memory_space<vmem>>, vector<1x64x512xf32>
    tpu.vector_store %arg5[%swap3A_31, %swap3A_32, %swap3A_33], %broadcast_in_dim3A_30 {strides = array<i32>} : memref<1x64x512xf32, #tpu.memory_space<vmem>>, vector<1x64x512xf32>,
    return
  }
  func.func @transform_0(%arg0: i32) -> (i32, i32) {
    %c0_i32 = arith.constant 0 : i32
    %c0_i32_0 = arith.constant 0 : i32
    return %arg0, %c0_i32 : i32, i32
  }
  func.func @transform_1(%arg0: i32) -> (i32, i32) {
    %c0_i32 = arith.constant 0 : i32
    %c0_i32_0 = arith.constant 0 : i32
    %c0_i32_1 = arith.constant 0 : i32
    return %c0_i32, %c0_i32_0 : i32, i32
  }
  func.func @transform_2(%arg0: i32) -> (i32, i32) {
    %c0_i32 = arith.constant 0 : i32
    %c0_i32_0 = arith.constant 0 : i32
    %c0_i32_1 = arith.constant 0 : i32
    return %c0_i32, %c0_i32_0 : i32, i32
  }
  func.func @transform_3(%arg0: i32) -> (i32, i32) {
    %c0_i32 = arith.constant 0 : i32
    %c0_i32_0 = arith.constant 0 : i32
    return %arg0, %c0_i32 : i32, i32
  }
  func.func @transform_4(%arg0: i32) -> (i32, i32, i32) {
    %c0_i32 = arith.constant 0 : i32
    %c0_i32_0 = arith.constant 0 : i32
    %c0_i32_1 = arith.constant 0 : i32
    return %arg0, %c0_i32, %c0_i32_0 : i32, i32, i32
  }
}

</mosaic_0001>

<sc_bundles>
// kernel: kernel.4.cloned.1.call-start
scs
__scs_entry_jumppad:
0x0: {  	(pc) =	sbr.rel $0x88, $3  }
0x1: {  	(tag) =	ssettag $0x0;
	lr =	simm.s32 $0x1  }
0x2: {  	[smem:$0x3F9E] =	sst lr;
	_ =	strace $0xD0000000  }
0x3: {  	_ = 	snop  }
0x4: {  	_ = 	snop  }
0x5: {  	_ = 	snop  }
0x6: {  	_ = 	snop  }
0x7: {  	_ = 	snop  }
__scs_overlays_trampoline_lowered:
0x8: {  	[smem:$0x3FAD] =	sst s0  }
0x9: {  	[smem:$0x3FAE] =	sst s1  }
0xa: {  	[smem:$0x3FAF] =	sst s2  }
0xb: {  	[smem:$0x3FB0] =	sst s3  }
0xc: {  	[smem:$0x3FB1] =	sst s4  }
0xd: {  	[smem:$0x3FB2] =	sst s5  }
0xe: {  	[smem:$0x3FB3] =	sst s6  }
0xf: {  	[smem:$0x3FB4] =	sst s7  }
0x10: {  	[smem:$0x3FB5] =	sst s8  }
0x11: {  	[smem:$0x3FB6] =	sst s9;
	s0 =	simm.s32 @!p0 $0x0  }
0x12: {  	s1 =	sld [smem:$0x3F9C];
	s0 =	simm.s32 @p0 $0x1  }
0x13: {  	[smem:$0x3FB7] =	sst s0;
	s0 =	simm.s32 @!p1 $0x0  }
0x14: {  	s2 =	sld [smem:$0x3F9B];
	s0 =	simm.s32 @p1 $0x1  }
0x15: {  	[smem:$0x3FB8] =	sst s0;
	s0 =	simm.s32 @!p2 $0x0  }
0x16: {  	s3 =	sld [smem:$0x3FDB];
	s0 =	simm.s32 @p2 $0x1  }
0x17: {  	s4 =	simm.s32 $0x1BF5;
	[smem:$0x3FBA] =	sst s0  }
0x18: {  	s0 =	sld [smem:$0x3F9D];
	_ =	swait.ge [sflag:s4], $0x0  }
0x19: {  	s7 =	sld [smem:$0x3F9E]  }
0x1a: {  	s8 =	sadd.s32 $0xFFFFE003, lr  }
0x1b: {  	s9 =	sadd.s32 $0xFFFFFEF7, lr;
	s5 =	simm.s32 $0xFFFFFFFF;
	p2 =	slt.u32 s8, $0xFFFFF086  }
0x1c: {  	p1 =	slt.u32 s9, $0xF7A;
	s5 =	simm.s32 @!p2 $0x0  }
0x1d: {  	s5 =	simm.s32 @p1 $0x1;
	p0 =	seq.s32 s7, s2  }
0x1e: {  	s7 =	smul.u32 @!p0 $0xF7A, s2;
	p2 =	seq.s32 @!p0 s5, $0x0  }
0x1f: {  	s9 =	smul.u32 $0xF7A, s1;
	s8 =	simm.s32 @!p0 $0x1BF5;
	p2 =	por !p2, p0  }
0x20: {  	[sflag:s8] =	ssyncset.s32 @!p0 $0xFFFFF086;
	s6 =	sadd.s32 @!p0 s3, s7;
	s7 =	simm.s32 @!p0 $0x108  }
0x21: {  	s3 =	sadd.s32 s3, s9;
	s6 =	sadd.s32 @!p0 $0x88, s6;
	s7 =	simm.s32 @p2 $0x1082  }
0x22: {  	[simem:s7], [sflag:s8] =	dma.local @!p0 [hbm:s6], $0xF7A  }
0x23: {  	s9 =	sor.u32 $0xD0000000, s2;
	s6 =	simm.s32 $0x108;
	_ =	swait.ge @!p0 [sflag:s8], $0x0  }
0x24: {  	s3 =	sadd.s32 $0x88, s3;
	s6 =	simm.s32 @!p1 $0x1082;
	[sflag:s4] =	ssyncset.s32 $0xFFFFF086  }
0x25: {  	[simem:s6], [sflag:s4] =	dma.local [hbm:s3], $0xF7A  }
0x26: {  	[smem:$0x3F9E] =	sst s1;
	(tag) =	ssettag s2;
	_ =	strace s9  }
0x27: {  	s1 =	sld [smem:$0x3FAE]  }
0x28: {  	s2 =	sld [smem:$0x3FAF]  }
0x29: {  	s4 =	sld [smem:$0x3FB1]  }
0x2a: {  	p0 =	seq.s32 s5, $0x0;
	s5 =	sld [smem:$0x3FB2]  }
0x2b: {  	s6 =	sld [smem:$0x3FB3]  }
0x2c: {  	s7 =	sld [smem:$0x3FB4]  }
0x2d: {  	s3 =	simm.s32 $0x108;
	s8 =	sld [smem:$0x3FB5]  }
0x2e: {  	s3 =	simm.s32 @!p0 $0x1082;
	s9 =	sld [smem:$0x3FB6]  }
0x2f: {  	lr =	sadd.s32 s0, s3;
	s0 =	sld [smem:$0x3FAD]  }
0x30: {  	s3 =	sld [smem:$0x3FB0]  }
0x31: {  	[smem:$0x3FB9] =	sst s10  }
0x32: {  	s10 =	sld [smem:$0x3FB7];
	_ =	sdelay $0x3  }
0x33: {  	p0 =	seq.s32 s10, $0x1;
	s10 =	sld [smem:$0x3FB9];
	_ =	sdelay $0x3  }
0x34: {  	[smem:$0x3FB9] =	sst s10  }
0x35: {  	s10 =	sld [smem:$0x3FB8];
	_ =	sdelay $0x3  }
0x36: {  	p1 =	seq.s32 s10, $0x1;
	s10 =	sld [smem:$0x3FB9];
	_ =	sdelay $0x3  }
0x37: {  	[smem:$0x3FB9] =	sst s10  }
0x38: {  	s10 =	sld [smem:$0x3FBA]  }
0x39: {  	_ = 	snop;
	(pc) =	sbr.ind lr, $3  }
0x3a: {  	_ = 	snop  }
0x3b: {  	_ = 	snop  }
0x3c: {  	p2 =	seq.s32 s10, $0x1;
	s10 =	sld [smem:$0x3FB9]  }
0x3d: {  	_ =	shalt  }
0x3e: {  	_ =	shalt  }
0x3f: {  	_ =	shalt  }
0x40: {  	_ =	shalt  }
0x41: {  	_ =	shalt  }
0x42: {  	_ =	shalt  }
0x43: {  	_ =	shalt  }
0x44: {  	_ =	shalt  }
0x45: {  	_ =	shalt  }
0x46: {  	_ =	shalt  }
0x47: {  	_ =	shalt  }
0x48: {  	_ =	shalt  }
0x49: {  	_ =	shalt  }
0x4a: {  	_ =	shalt  }
0x4b: {  	_ =	shalt  }
0x4c: {  	_ =	shalt  }
0x4d: {  	_ =	shalt  }
0x4e: {  	_ =	shalt  }
0x4f: {  	_ =	shalt  }
0x50: {  	_ =	shalt  }
0x51: {  	_ =	shalt  }
0x52: {  	_ =	shalt  }
0x53: {  	_ =	shalt  }
0x54: {  	_ =	shalt  }
0x55: {  	_ =	shalt  }
0x56: {  	_ =	shalt  }
0x57: {  	_ =	shalt  }
0x58: {  	_ =	shalt  }
0x59: {  	_ =	shalt  }
0x5a: {  	_ =	shalt  }
0x5b: {  	_ =	shalt  }
0x5c: {  	_ =	shalt  }
0x5d: {  	_ =	shalt  }
0x5e: {  	_ =	shalt  }
0x5f: {  	_ =	shalt  }
0x60: {  	_ =	shalt  }
0x61: {  	_ =	shalt  }
0x62: {  	_ =	shalt  }
0x63: {  	_ =	shalt  }
0x64: {  	_ =	shalt  }
0x65: {  	_ =	shalt  }
0x66: {  	_ =	shalt  }
0x67: {  	_ =	shalt  }
0x68: {  	_ =	shalt  }
0x69: {  	_ =	shalt  }
0x6a: {  	_ =	shalt  }
0x6b: {  	_ =	shalt  }
0x6c: {  	_ =	shalt  }
0x6d: {  	_ =	shalt  }
0x6e: {  	_ =	shalt  }
0x6f: {  	_ =	shalt  }
0x70: {  	_ =	shalt  }
0x71: {  	_ =	shalt  }
0x72: {  	_ =	shalt  }
0x73: {  	_ =	shalt  }
0x74: {  	_ =	shalt  }
0x75: {  	_ =	shalt  }
0x76: {  	_ =	shalt  }
0x77: {  	_ =	shalt  }
0x78: {  	_ =	shalt  }
0x79: {  	_ =	shalt  }
0x7a: {  	_ =	shalt  }
0x7b: {  	_ =	shalt  }
0x7c: {  	_ =	shalt  }
0x7d: {  	_ =	shalt  }
0x7e: {  	_ =	shalt  }
0x7f: {  	_ =	shalt  }
0x80: {  	_ =	shalt  }
0x81: {  	_ =	shalt  }
0x82: {  	_ =	shalt  }
0x83: {  	_ =	shalt  }
0x84: {  	_ =	shalt  }
0x85: {  	_ =	shalt  }
0x86: {  	_ =	shalt  }
0x87: {  	_ =	shalt  }
.Lfunc_end0:
.L_simem_size_0:
called_computation_lowered:
.L_overlay_start_0:
0x88: {  	s2 =	sld [smem:$0x3FD9]  }
0x89: {  	s3 =	sld [smem:$0x3FFE];
	_ =	sdelay $0x1  }
0x8a: {  	s1 =	srdreg.scid  }
0x8b: {  	s0 =	sand.u32 $0x1, s1  }
0x8c: {  	s14 =	sshll.u32 s0, $0xA;
	s2 =	sadd.s32 s3, s2  }
0x8d: {  	s2 =	sadd.s32 s2, s14  }
0x8e: {  	[smem:$0x3FC5] =	sst s2  }
0x8f: {  	_ = 	snop  }
0x90: {  	s2 =	sld [smem:$0x3FD0];
	_ =	sdelay $0x2  }
0x91: {  	s15 =	simm.s32 $0xA;
	s4 =	simm.s32 $0x10  }
0x92: {  	[smem:s4], [sflag:s15] =	dma.local [hbm:s2], $0x1  }
0x93: {  	_ =	swait.eq [sflag:s15], $0x1  }
0x94: {  	[sflag:s15] =	ssyncset.done $0x0  }
0x95: {  	[sflag:s15] =	ssyncadd.s32 $0xFFFFFFFF  }
0x96: {  	s16 =	sld [smem:$0x11];
	(tm) =	ssettm $0x1  }
0x97: {  	s17 =	sld [smem:$0x3FFB];
	_ =	sdelay $0x3  }
0x98: {  	_ =	strace s17  }
0x99: {  	s3 =	sld [smem:$0x3FFC];
	_ =	sdelay $0x3  }
0x9a: {  	_ =	strace s3  }
0x9b: {  	s3 =	sld [smem:$0x3FFD];
	_ =	sdelay $0x3  }
0x9c: {  	_ =	strace s3  }
0x9d: {  	_ =	strace $0x8FFFFFFF  }
0x9e: {  	s18 =	sld [smem:$0x3FDB];
	_ =	sdelay $0x1  }
0x9f: {  	s19 =	simm.s32 $_scs_section_size  }
0xa0: {  	s5 =	simm.s32 $_size__tile_overlayer_lowered;
	s6 =	simm.s32 $_tile_overlayer_lowered  }
0xa1: {  	s22 =	simm.s32 $0x1BFF;
	s21 =	sshll.u32 s6, $0x1;
	s3 =	sadd.s32 s19, s18  }
0xa2: {  	s7 =	simm.s32 $0x0;
	s20 =	sshll.u32 s5, $0x1;
	s5 =	sadd.s32 s21, s3  }
0xa3: {  	[timem:s7], [sflag:s22] =	dma.local [hbm:s5], s20  }
0xa4: {  	_ =	swait.ge [sflag:s22], s20  }
0xa5: {  	s4 =	ssub.s32 $0x0, s20;
	[sflag:s22] =	ssyncset.done $0x0  }
0xa6: {  	[sflag:s22] =	ssyncadd.s32 s4;
	_ =	sdelay $0x1  }
0xa7: {  	s23 =	simm.s32 $0x1B8B  }
0xa8: {  	_ =	swait.ge [sflag:s23], $0x1  }
0xa9: {  	[sflag:s23] =	ssyncset.done $0x0  }
0xaa: {  	s25 =	simm.s32 $0x1B8E;
	s24 =	sld [smem:$0x3FFE];
	[sflag:s23] =	ssyncadd.s32 $0xFFFFFFFF  }
0xab: {  	s26 =	simm.s32 $execute0_lowered;
	[smem:$0x3FD2] =	sst s25  }
0xac: {  	s5 =	sshll.u32 s26, $0x1;
	_ =	strace $0x80000046;
	[dreg:$0x1] =	wrdreg $0xFFFFFFFF  }
0xad: {  	s28 =	simm.s32 $_size_execute0_lowered;
	s3 =	sadd.s32 s3, s5;
	[dreg:$0x0] =	wrdreg $0x0  }
0xae: {  	s5 =	sshll.u32 s28, $0x1;
	[dreg:$0x2] =	wrdreg s3  }
0xaf: {  	[dreg:$0x3] =	wrdreg s5  }
0xb0: {  	[dreg:$0x4] =	wrdreg $0xC0  }
0xb1: {  	_ =	task [dreg:s7], $0x5FFFF  }
0xb2: {  	[dreg:$0x1] =	wrdreg $0xFFFFFFFF  }
0xb3: {  	[dreg:$0x0] =	wrdreg $0x60  }
0xb4: {  	[dreg:$0x2] =	wrdreg s24  }
0xb5: {  	[dreg:$0x3] =	wrdreg s16  }
0xb6: {  	[dreg:$0x4] =	wrdreg $0x9  }
0xb7: {  	_ =	task.clear_ibuf [dreg:s7], $0x5FFFF;
	_ =	strace $0x90000046  }
0xb8: {  	s29 =	simm.s32 $0x9;
	_ =	strace $0x80000048  }
0xb9: {  	_ =	swait.ge [sflag:s29], $0x1  }
0xba: {  	[sflag:s29] =	ssyncadd.s32 $0xFFFFFFFF  }
0xbb: {  	_ =	strace $0x90000048  }
0xbc: {  	_ =	sfence  }
0xbd: {  	s30 =	sld [smem:$0x0];
	_ =	sdelay $0x2  }
0xbe: {  	s31 =	sshll.u32 s1, $0xD;
	s1 =	sshrl.u32 s1, $0x2  }
0xbf: {  	s3 =	sand.u32 $0x4000, s31;
	s1 =	sadd.s32 s1, s30  }
0xc0: {  	s0 =	sor.u32 s3, s0;
	s1 =	sshll.u32 s1, $0x11  }
0xc1: {  	s0 =	sor.u32 s1, s0  }
0xc2: {  	s0 =	sadd.s32 $0x8F2B, s0  }
0xc3: {  	[sflag:s0] =	ssyncadd.remote.s32 $0x1  }
0xc4: {  	_ =	sfence.sel $0xFFFF  }
0xc5: {  	[dreg:$0x0] =	wrdreg $0xFFFFFFFF;
	(pc) =	sbr.abs _section_cstart, $3  }
0xc6: {  	[dreg:$0x1] =	wrdreg $0xFFFFFFFF  }
0xc7: {  	_ =	task.clear_ibuf [dreg:s7], $0x2FFFF;
	_ =	strace $0x9FFFFFFF  }
0xc8: {  	(tm) =	ssettm $0x7FFFFFFF  }
0xc9: {  	_ =	shalt  }
tec
execute0_lowered:
.L_overlay_start_1:
0x0: {  	(tag) =	ssettag $0x1  }
0x1: {  	s3 =	rddreg [dreg:$0x0]  }
0x2: {  	s4 =	rddreg [dreg:$0x1]  }
0x3: {  	s0 =	rddreg [dreg:$0x2]  }
0x4: {  	s5 =	srdreg.scid;
	s1 =	stileid.u32  }
0x5: {  	s2 =	simm.s32 $0x0;
	s5 =	sand.u32 $0x1, s5;
	s6 =	sshll.u32 s1, $0x1  }
0x6: {  	s10 =	simm.s32 $0x0;
	[smem:$0x7FF] =	sst s2;
	s6 =	sor.u32 s5, s6  }
0x7: {  	_ =	strace $0x80000047;
	s5 =	ssub.s32 $0x2, s5;
	s7 =	sshll.u32 s6, $0xC  }
0x8: {  	s6 =	sshll.u32 s6, $0x9;
	s31 =	sshrl.u32 s5, $0x1;
	s7 =	sadd.s32 s7, s3  }
0x9: {  	s8 =	sadd.s32 s6, s3;
	s9 =	ssub.s32 s5, s31;
	s4 =	sadd.s32 s4, s6  }
0xa: {  	v0 =	vlaneseq.u32;
	s3 =	sadd.s32 $0x1000, s7;
	s5 =	sadd.s32 $0x21000, s8;
	s6 =	smax.u32 s9, $0x1  }
0xb: {  	v0 =	vmul.u32 $0x8, v0;
	s7 =	simm.s32 $0x1;
	s8 =	simm.s32 $0x9000;
	s9 =	simm.s32 $0x8000  }
.LBB2_1:
0xc: {  	[tilespmem:s2], [sflag:$0x1] =	stream.linear.gather [hbm4b:s3+s2], $0x8000, $0x38;
	[tilespmem:$0xA000] =	vst v63  }
0xd: {  	_ =	swait.ge [sflag:s7], $0x8000  }
0xe: {  	s11 =	simm.s32 $0x0;
	[sflag:s7] =	ssyncset.done $0x0  }
0xf: {  	s12 =	simm.s32 $0x0;
	s13 =	simm.s32 $0x0;
	[sflag:s7] =	ssyncadd.s32 $0xFFFF8000  }
.LBB2_2:
0x10: {  	v8 =	vimm.f32 $-Inf  }
0x11: {  	s14 =	sshll.u32 s12, $0x2;
	s15 =	sand.u32 $0x7, s11;
	v3 =	vimm.s32 $0x0;
	v1 =	vimm.s32 $0x0;
	v2 =	vimm.s32 $0x0  }
0x12: {  	v4 =	vimm.s32 $0x0;
	v5 =	vimm.s32 $0x0;
	v6 =	vimm.s32 $0x0;
	s14 =	sand.u32 $0xFFFFF000, s14;
	s15 =	sshll.u32 s15, $0x6  }
0x13: {  	v7 =	vimm.s32 $0x0;
	v9 =	vimm.s32 $0x0;
	v10 =	vimm.f32 $-Inf;
	s14 =	sor.u32 s15, s14  }
0x14: {  	v11 =	vimm.f32 $-Inf;
	v12 =	vimm.f32 $-Inf;
	v13 =	vimm.f32 $-Inf;
	s14 =	sshrl.u32 s14, $0x2  }
0x15: {  	s16 =	simm.s32 $0xF;
	v15 =	vimm.f32 $-Inf;
	v16 =	vimm.f32 $-Inf;
	v14 =	vimm.f32 $-Inf;
	s15 =	sadd.s32 $0x1000, s14;
	s14 =	sshll.u32 s13, $0x4  }
.LBB2_3:
0x16: {  	v17 =	vld [tilespmem:s15+$0xFFFFF000];
	_ =	sdelay $0x4  }
0x17: {  	s17 =	sadd.s32 $0xFFFFFFF1, s16;
	vm0 =	vgt.f32 v17, v14;
	v18 =	vmax.f32 v17, v14  }
0x18: {  	v14 =	vmin.f32 v17, v14;
	v17 =	vsel vm0, s17, v9;
	v9 =	vnsel vm0, s17, v9  }
0x19: {  	vm10 =	vgt.f32 v14, v16;
	v19 =	vmax.f32 v14, v16;
	v14 =	vmin.f32 v14, v16  }
0x1a: {  	v16 =	vsel vm10, v9, v7;
	v7 =	vsel vm10, v7, v9;
	vm11 =	vgt.f32 v14, v15  }
0x1b: {  	v9 =	vmax.f32 v14, v15;
	v14 =	vmin.f32 v14, v15;
	v15 =	vsel vm11, v7, v6  }
0x1c: {  	v6 =	vsel vm11, v6, v7;
	vm12 =	vgt.f32 v14, v13;
	v7 =	vmax.f32 v14, v13  }
0x1d: {  	v13 =	vmin.f32 v14, v13;
	v14 =	vsel vm12, v6, v5;
	v5 =	vsel vm12, v5, v6  }
0x1e: {  	vm13 =	vgt.f32 v13, v12;
	v6 =	vmax.f32 v13, v12;
	v12 =	vmin.f32 v13, v12  }
0x1f: {  	v13 =	vsel vm13, v5, v4;
	v4 =	vsel vm13, v4, v5;
	vm14 =	vgt.f32 v12, v11;
	v5 =	vld [tilespmem:s15+$0xFFFFF080]  }
0x20: {  	v20 =	vmax.f32 v12, v11;
	v11 =	vmin.f32 v12, v11;
	v12 =	vsel vm14, v4, v2  }
0x21: {  	v2 =	vsel vm14, v2, v4;
	vm15 =	vgt.f32 v11, v10;
	v4 =	vmin.f32 v11, v10  }
0x22: {  	v10 =	vmax.f32 v11, v10;
	v11 =	vsel vm15, v1, v2;
	vm1 =	vgt.f32 v4, v8  }
0x23: {  	v1 =	vsel vm15, v2, v1;
	v2 =	vmax.f32 v4, v8;
	v3 =	vsel vm1, v11, v3  }
0x24: {  	s31 =	sadd.s32 $0xFFFFFFF2, s16;
	vm4 =	vgt.f32 v5, v18;
	v4 =	vmax.f32 v5, v18;
	v5 =	vmin.f32 v5, v18  }
0x25: {  	v8 =	vsel vm4, s31, v17;
	v11 =	vnsel vm4, s31, v17;
	vm5 =	vgt.f32 v5, v19  }
0x26: {  	v17 =	vmax.f32 v5, v19;
	v5 =	vmin.f32 v5, v19;
	v18 =	vsel vm5, v11, v16  }
0x27: {  	v11 =	vsel vm5, v16, v11;
	vm6 =	vgt.f32 v5, v9;
	v16 =	vmax.f32 v5, v9  }
0x28: {  	v5 =	vmin.f32 v5, v9;
	v9 =	vsel vm6, v11, v15;
	v11 =	vsel vm6, v15, v11  }
0x29: {  	vm7 =	vgt.f32 v5, v7;
	v15 =	vmax.f32 v5, v7;
	v5 =	vmin.f32 v5, v7  }
0x2a: {  	v19 =	vld [tilespmem:s15+$0xFFFFF100];
	v7 =	vsel vm7, v11, v14;
	v11 =	vsel vm7, v14, v11;
	vm8 =	vgt.f32 v5, v6  }
0x2b: {  	v14 =	vmax.f32 v5, v6;
	v5 =	vmin.f32 v5, v6;
	v6 =	vsel vm8, v11, v13  }
0x2c: {  	v11 =	vsel vm8, v13, v11;
	vm9 =	vgt.f32 v5, v20;
	v13 =	vmax.f32 v5, v20  }
0x2d: {  	v5 =	vmin.f32 v5, v20;
	v52 =	vsel vm9, v11, v12;
	v11 =	vsel vm9, v12, v11  }
0x2e: {  	vm10 =	vgt.f32 v5, v10;
	v12 =	vmax.f32 v5, v10;
	v5 =	vmin.f32 v5, v10  }
0x2f: {  	s18 =	sadd.s32 $0xFFFFFFF3, s16;
	vm12 =	vgt.f32 v19, v4;
	v10 =	vsel vm10, v11, v1;
	v1 =	vsel vm10, v1, v11  }
0x30: {  	vm11 =	vgt.f32 v5, v2;
	v2 =	vmax.f32 v5, v2;
	v5 =	vsel vm12, s18, v8  }
0x31: {  	v1 =	vsel vm11, v1, v3;
	v3 =	vmax.f32 v19, v4;
	v4 =	vmin.f32 v19, v4  }
0x32: {  	v8 =	vnsel vm12, s18, v8;
	vm13 =	vgt.f32 v4, v17;
	v11 =	vmax.f32 v4, v17  }
0x33: {  	v4 =	vmin.f32 v4, v17;
	v17 =	vsel vm13, v8, v18;
	v8 =	vsel vm13, v18, v8  }
0x34: {  	vm14 =	vgt.f32 v4, v16;
	v18 =	vmax.f32 v4, v16;
	v4 =	vmin.f32 v4, v16  }
0x35: {  	v16 =	vsel vm14, v8, v9;
	v8 =	vsel vm14, v9, v8;
	vm15 =	vgt.f32 v4, v15  }
0x36: {  	v9 =	vmax.f32 v4, v15;
	v4 =	vmin.f32 v4, v15;
	v15 =	vsel vm15, v8, v7  }
0x37: {  	v7 =	vsel vm15, v7, v8;
	vm4 =	vgt.f32 v4, v14;
	v8 =	vmax.f32 v4, v14  }
0x38: {  	v4 =	vmin.f32 v4, v14;
	v14 =	vsel vm4, v7, v6;
	v6 =	vsel vm4, v6, v7;
	v7 =	vld [tilespmem:s15+$0xFFFFF180]  }
0x39: {  	vm5 =	vgt.f32 v4, v13;
	v19 =	vmax.f32 v4, v13;
	v4 =	vmin.f32 v4, v13  }
0x3a: {  	v13 =	vsel vm5, v6, v52;
	v6 =	vsel vm5, v52, v6;
	vm6 =	vgt.f32 v4, v12  }
0x3b: {  	v53 =	vmax.f32 v4, v12;
	v4 =	vmin.f32 v4, v12;
	v12 =	vsel vm6, v6, v10  }
0x3c: {  	v6 =	vsel vm6, v10, v6;
	vm7 =	vgt.f32 v4, v2;
	v2 =	vmax.f32 v4, v2  }
0x3d: {  	s19 =	sadd.s32 $0xFFFFFFF4, s16;
	v1 =	vsel vm7, v6, v1;
	vm8 =	vgt.f32 v7, v3;
	v4 =	vmax.f32 v7, v3  }
0x3e: {  	v3 =	vmin.f32 v7, v3;
	v6 =	vsel vm8, s19, v5;
	v5 =	vnsel vm8, s19, v5  }
0x3f: {  	vm9 =	vgt.f32 v3, v11;
	v7 =	vmax.f32 v3, v11;
	v3 =	vmin.f32 v3, v11  }
0x40: {  	v10 =	vsel vm9, v5, v17;
	v5 =	vsel vm9, v17, v5;
	vm10 =	vgt.f32 v3, v18  }
0x41: {  	v11 =	vmax.f32 v3, v18;
	v3 =	vmin.f32 v3, v18;
	v17 =	vsel vm10, v5, v16  }
0x42: {  	v5 =	vsel vm10, v16, v5;
	vm11 =	vgt.f32 v3, v9;
	v16 =	vmax.f32 v3, v9  }
0x43: {  	v3 =	vmin.f32 v3, v9;
	v9 =	vsel vm11, v5, v15;
	v5 =	vsel vm11, v15, v5  }
0x44: {  	vm12 =	vgt.f32 v3, v8;
	v15 =	vmax.f32 v3, v8;
	v3 =	vmin.f32 v3, v8  }
0x45: {  	v8 =	vsel vm12, v5, v14;
	v5 =	vsel vm12, v14, v5;
	vm13 =	vgt.f32 v3, v19;
	v14 =	vld [tilespmem:s15+$0xFFFFF200]  }
0x46: {  	v18 =	vmax.f32 v3, v19;
	v3 =	vmin.f32 v3, v19;
	v19 =	vsel vm13, v5, v13  }
0x47: {  	v55 =	vld [tilespmem:s15+$0xFFFFF280];
	v5 =	vsel vm13, v13, v5;
	vm14 =	vgt.f32 v3, v53;
	v13 =	vmin.f32 v3, v53  }
0x48: {  	v3 =	vmax.f32 v3, v53;
	v54 =	vsel vm14, v12, v5;
	vm15 =	vgt.f32 v13, v2  }
0x49: {  	v5 =	vsel vm14, v5, v12;
	v2 =	vmax.f32 v13, v2;
	v1 =	vsel vm15, v54, v1  }
0x4a: {  	s20 =	sadd.s32 $0xFFFFFFF5, s16;
	vm4 =	vgt.f32 v14, v4;
	v12 =	vmax.f32 v14, v4;
	v4 =	vmin.f32 v14, v4  }
0x4b: {  	v13 =	vsel vm4, s20, v6;
	v6 =	vnsel vm4, s20, v6;
	vm5 =	vgt.f32 v4, v7  }
0x4c: {  	v14 =	vmax.f32 v4, v7;
	v4 =	vmin.f32 v4, v7;
	vm12 =	vgt.f32 v55, v12  }
0x4d: {  	v7 =	vsel vm5, v6, v10;
	v6 =	vsel vm5, v10, v6;
	vm6 =	vgt.f32 v4, v11  }
0x4e: {  	v10 =	vmax.f32 v4, v11;
	v4 =	vmin.f32 v4, v11;
	v11 =	vsel vm6, v6, v17  }
0x4f: {  	v6 =	vsel vm6, v17, v6;
	vm7 =	vgt.f32 v4, v16;
	v17 =	vmax.f32 v4, v16  }
0x50: {  	v4 =	vmin.f32 v4, v16;
	v16 =	vsel vm7, v6, v9;
	v6 =	vsel vm7, v9, v6  }
0x51: {  	vm8 =	vgt.f32 v4, v15;
	v9 =	vmax.f32 v4, v15;
	v4 =	vmin.f32 v4, v15  }
0x52: {  	v15 =	vsel vm8, v6, v8;
	v6 =	vsel vm8, v8, v6;
	vm9 =	vgt.f32 v4, v18  }
0x53: {  	v8 =	vmax.f32 v4, v18;
	v4 =	vmin.f32 v4, v18;
	v18 =	vsel vm9, v6, v19  }
0x54: {  	v6 =	vsel vm9, v19, v6;
	vm10 =	vgt.f32 v4, v3;
	v19 =	vmax.f32 v4, v3  }
0x55: {  	v3 =	vmin.f32 v4, v3;
	v4 =	vsel vm10, v6, v5;
	v5 =	vsel vm10, v5, v6  }
0x56: {  	s21 =	sadd.s32 $0xFFFFFFF6, s16;
	vm11 =	vgt.f32 v3, v2;
	v2 =	vmax.f32 v3, v2;
	v3 =	vmax.f32 v55, v12  }
0x57: {  	v6 =	vsel vm12, s21, v13;
	v1 =	vsel vm11, v5, v1;
	v5 =	vmin.f32 v55, v12  }
0x58: {  	v12 =	vnsel vm12, s21, v13;
	vm13 =	vgt.f32 v5, v14;
	v13 =	vmax.f32 v5, v14  }
0x59: {  	v5 =	vmin.f32 v5, v14;
	v14 =	vsel vm13, v12, v7;
	v7 =	vsel vm13, v7, v12  }
0x5a: {  	vm14 =	vgt.f32 v5, v10;
	v12 =	vmax.f32 v5, v10;
	v5 =	vmin.f32 v5, v10  }
0x5b: {  	v10 =	vsel vm14, v7, v11;
	v7 =	vsel vm14, v11, v7;
	vm15 =	vgt.f32 v5, v17  }
0x5c: {  	v11 =	vmax.f32 v5, v17;
	v5 =	vmin.f32 v5, v17;
	v17 =	vsel vm15, v7, v16  }
0x5d: {  	v7 =	vsel vm15, v16, v7;
	vm4 =	vgt.f32 v5, v9;
	v16 =	vmax.f32 v5, v9  }
0x5e: {  	v5 =	vmin.f32 v5, v9;
	v9 =	vsel vm4, v7, v15;
	v7 =	vsel vm4, v15, v7;
	v15 =	vld [tilespmem:s15+$0xFFFFF300]  }
0x5f: {  	vm5 =	vgt.f32 v5, v8;
	v56 =	vmax.f32 v5, v8;
	v5 =	vmin.f32 v5, v8  }
0x60: {  	v8 =	vsel vm5, v7, v18;
	v7 =	vsel vm5, v18, v7;
	vm6 =	vgt.f32 v5, v19  }
0x61: {  	v18 =	vmax.f32 v5, v19;
	v5 =	vmin.f32 v5, v19;
	v19 =	vsel vm6, v7, v4  }
0x62: {  	v4 =	vsel vm6, v4, v7;
	vm7 =	vgt.f32 v5, v2;
	v2 =	vmax.f32 v5, v2  }
0x63: {  	s22 =	sadd.s32 $0xFFFFFFF7, s16;
	v1 =	vsel vm7, v4, v1;
	vm8 =	vgt.f32 v15, v3;
	v4 =	vmax.f32 v15, v3  }
0x64: {  	v3 =	vmin.f32 v15, v3;
	v5 =	vsel vm8, s22, v6;
	v6 =	vnsel vm8, s22, v6  }
0x65: {  	vm9 =	vgt.f32 v3, v13;
	v7 =	vmax.f32 v3, v13;
	v3 =	vmin.f32 v3, v13  }
0x66: {  	v13 =	vsel vm9, v6, v14;
	v6 =	vsel vm9, v14, v6;
	vm10 =	vgt.f32 v3, v12  }
0x67: {  	v14 =	vmax.f32 v3, v12;
	v3 =	vmin.f32 v3, v12;
	v12 =	vsel vm10, v6, v10  }
0x68: {  	v6 =	vsel vm10, v10, v6;
	vm11 =	vgt.f32 v3, v11;
	v10 =	vmax.f32 v3, v11  }
0x69: {  	v3 =	vmin.f32 v3, v11;
	v11 =	vsel vm11, v6, v17;
	v6 =	vsel vm11, v17, v6  }
0x6a: {  	vm12 =	vgt.f32 v3, v16;
	v15 =	vmax.f32 v3, v16;
	v3 =	vmin.f32 v3, v16  }
0x6b: {  	v16 =	vsel vm12, v6, v9;
	v6 =	vsel vm12, v9, v6;
	vm13 =	vgt.f32 v3, v56;
	v9 =	vld [tilespmem:s15+$0xFFFFF380]  }
0x6c: {  	v17 =	vmax.f32 v3, v56;
	v3 =	vmin.f32 v3, v56;
	v57 =	vsel vm13, v6, v8  }
0x6d: {  	v6 =	vsel vm13, v8, v6;
	vm14 =	vgt.f32 v3, v18;
	v8 =	vmin.f32 v3, v18  }
0x6e: {  	v3 =	vmax.f32 v3, v18;
	v18 =	vsel vm14, v19, v6;
	vm15 =	vgt.f32 v8, v2  }
0x6f: {  	v6 =	vsel vm14, v6, v19;
	v2 =	vmax.f32 v8, v2;
	v19 =	vld [tilespmem:s15+$0x0];
	v1 =	vsel vm15, v18, v1  }
0x70: {  	s23 =	sadd.s32 $0xFFFFFFF8, s16;
	vm4 =	vgt.f32 v9, v4;
	v8 =	vmax.f32 v9, v4;
	v4 =	vmin.f32 v9, v4  }
0x71: {  	v9 =	vsel vm4, s23, v5;
	v5 =	vnsel vm4, s23, v5;
	vm5 =	vgt.f32 v4, v7  }
0x72: {  	v18 =	vmax.f32 v4, v7;
	v4 =	vmin.f32 v4, v7;
	v7 =	vsel vm5, v5, v13  }
0x73: {  	v5 =	vsel vm5, v13, v5;
	vm6 =	vgt.f32 v4, v14;
	v13 =	vmax.f32 v4, v14  }
0x74: {  	v4 =	vmin.f32 v4, v14;
	vm12 =	vgt.f32 v19, v8;
	v14 =	vsel vm6, v5, v12  }
0x75: {  	v5 =	vsel vm6, v12, v5;
	vm7 =	vgt.f32 v4, v10;
	v12 =	vmax.f32 v4, v10  }
0x76: {  	v4 =	vmin.f32 v4, v10;
	v10 =	vsel vm7, v5, v11;
	v5 =	vsel vm7, v11, v5  }
0x77: {  	vm8 =	vgt.f32 v4, v15;
	v11 =	vmax.f32 v4, v15;
	v4 =	vmin.f32 v4, v15  }
0x78: {  	v15 =	vsel vm8, v5, v16;
	v5 =	vsel vm8, v16, v5;
	vm9 =	vgt.f32 v4, v17  }
0x79: {  	v16 =	vmax.f32 v4, v17;
	v4 =	vmin.f32 v4, v17;
	v17 =	vsel vm9, v5, v57  }
0x7a: {  	v5 =	vsel vm9, v57, v5;
	vm10 =	vgt.f32 v4, v3;
	v58 =	vmax.f32 v4, v3  }
0x7b: {  	v3 =	vmin.f32 v4, v3;
	v4 =	vsel vm10, v5, v6;
	v5 =	vsel vm10, v6, v5  }
0x7c: {  	s24 =	sadd.s32 $0xFFFFFFF9, s16;
	vm11 =	vgt.f32 v3, v2;
	v2 =	vmax.f32 v3, v2;
	v3 =	vmax.f32 v19, v8  }
0x7d: {  	v6 =	vsel vm12, s24, v9;
	v1 =	vsel vm11, v5, v1;
	v5 =	vmin.f32 v19, v8  }
0x7e: {  	v8 =	vnsel vm12, s24, v9;
	vm13 =	vgt.f32 v5, v18;
	v9 =	vmax.f32 v5, v18  }
0x7f: {  	v5 =	vmin.f32 v5, v18;
	v18 =	vsel vm13, v8, v7;
	v7 =	vsel vm13, v7, v8  }
0x80: {  	vm14 =	vgt.f32 v5, v13;
	v8 =	vmax.f32 v5, v13;
	v5 =	vmin.f32 v5, v13  }
0x81: {  	v13 =	vsel vm14, v7, v14;
	v7 =	vsel vm14, v14, v7;
	vm15 =	vgt.f32 v5, v12  }
0x82: {  	v14 =	vmax.f32 v5, v12;
	v5 =	vmin.f32 v5, v12;
	v12 =	vsel vm15, v7, v10  }
0x83: {  	v7 =	vsel vm15, v10, v7;
	vm4 =	vgt.f32 v5, v11;
	v10 =	vmax.f32 v5, v11  }
0x84: {  	v5 =	vmin.f32 v5, v11;
	v11 =	vsel vm4, v7, v15;
	v7 =	vsel vm4, v15, v7;
	v15 =	vld [tilespmem:s15+$0x80]  }
0x85: {  	vm5 =	vgt.f32 v5, v16;
	v19 =	vmax.f32 v5, v16;
	v5 =	vmin.f32 v5, v16  }
0x86: {  	v16 =	vsel vm5, v7, v17;
	v7 =	vsel vm5, v17, v7;
	vm6 =	vgt.f32 v5, v58  }
0x87: {  	v17 =	vmax.f32 v5, v58;
	v5 =	vmin.f32 v5, v58;
	v59 =	vsel vm6, v7, v4  }
0x88: {  	v4 =	vsel vm6, v4, v7;
	vm7 =	vgt.f32 v5, v2;
	v2 =	vmax.f32 v5, v2  }
0x89: {  	s25 =	sadd.s32 $0xFFFFFFFA, s16;
	v1 =	vsel vm7, v4, v1;
	vm8 =	vgt.f32 v15, v3;
	v4 =	vmax.f32 v15, v3  }
0x8a: {  	v3 =	vmin.f32 v15, v3;
	v5 =	vsel vm8, s25, v6;
	v6 =	vnsel vm8, s25, v6  }
0x8b: {  	vm9 =	vgt.f32 v3, v9;
	v7 =	vmax.f32 v3, v9;
	v3 =	vmin.f32 v3, v9  }
0x8c: {  	v9 =	vsel vm9, v6, v18;
	v6 =	vsel vm9, v18, v6;
	vm10 =	vgt.f32 v3, v8  }
0x8d: {  	v15 =	vmax.f32 v3, v8;
	v3 =	vmin.f32 v3, v8;
	v8 =	vsel vm10, v6, v13  }
0x8e: {  	v6 =	vsel vm10, v13, v6;
	vm11 =	vgt.f32 v3, v14;
	v13 =	vmax.f32 v3, v14  }
0x8f: {  	v3 =	vmin.f32 v3, v14;
	v14 =	vsel vm11, v6, v12;
	v6 =	vsel vm11, v12, v6  }
0x90: {  	vm12 =	vgt.f32 v3, v10;
	v12 =	vmax.f32 v3, v10;
	v3 =	vmin.f32 v3, v10  }
0x91: {  	v10 =	vsel vm12, v6, v11;
	v6 =	vsel vm12, v11, v6;
	vm13 =	vgt.f32 v3, v19;
	v11 =	vld [tilespmem:s15+$0x100]  }
0x92: {  	v18 =	vmax.f32 v3, v19;
	v3 =	vmin.f32 v3, v19;
	v19 =	vsel vm13, v6, v16  }
0x93: {  	v60 =	vld [tilespmem:s15+$0x180];
	v6 =	vsel vm13, v16, v6;
	vm14 =	vgt.f32 v3, v17;
	v16 =	vmin.f32 v3, v17  }
0x94: {  	v3 =	vmax.f32 v3, v17;
	v17 =	vsel vm14, v59, v6;
	vm15 =	vgt.f32 v16, v2  }
0x95: {  	v6 =	vsel vm14, v6, v59;
	v2 =	vmax.f32 v16, v2;
	v1 =	vsel vm15, v17, v1  }
0x96: {  	s26 =	sadd.s32 $0xFFFFFFFB, s16;
	vm4 =	vgt.f32 v11, v4;
	v16 =	vmax.f32 v11, v4;
	v4 =	vmin.f32 v11, v4  }
0x97: {  	v11 =	vsel vm4, s26, v5;
	v5 =	vnsel vm4, s26, v5;
	vm5 =	vgt.f32 v4, v7  }
0x98: {  	v17 =	vmax.f32 v4, v7;
	v4 =	vmin.f32 v4, v7;
	vm12 =	vgt.f32 v60, v16  }
0x99: {  	v7 =	vsel vm5, v5, v9;
	v5 =	vsel vm5, v9, v5;
	vm6 =	vgt.f32 v4, v15  }
0x9a: {  	v9 =	vmax.f32 v4, v15;
	v4 =	vmin.f32 v4, v15;
	v15 =	vsel vm6, v5, v8  }
0x9b: {  	v5 =	vsel vm6, v8, v5;
	vm7 =	vgt.f32 v4, v13;
	v8 =	vmax.f32 v4, v13  }
0x9c: {  	v4 =	vmin.f32 v4, v13;
	v13 =	vsel vm7, v5, v14;
	v5 =	vsel vm7, v14, v5  }
0x9d: {  	vm8 =	vgt.f32 v4, v12;
	v14 =	vmax.f32 v4, v12;
	v4 =	vmin.f32 v4, v12  }
0x9e: {  	v12 =	vsel vm8, v5, v10;
	v5 =	vsel vm8, v10, v5;
	vm9 =	vgt.f32 v4, v18  }
0x9f: {  	v10 =	vmax.f32 v4, v18;
	v4 =	vmin.f32 v4, v18;
	v18 =	vsel vm9, v5, v19  }
0xa0: {  	v5 =	vsel vm9, v19, v5;
	vm10 =	vgt.f32 v4, v3;
	v19 =	vmax.f32 v4, v3  }
0xa1: {  	v3 =	vmin.f32 v4, v3;
	v4 =	vsel vm10, v5, v6;
	v5 =	vsel vm10, v6, v5  }
0xa2: {  	s28 =	sadd.s32 $0xFFFFFFFC, s16;
	vm11 =	vgt.f32 v3, v2;
	v2 =	vmax.f32 v3, v2;
	v3 =	vmax.f32 v60, v16  }
0xa3: {  	v6 =	vsel vm12, s28, v11;
	v1 =	vsel vm11, v5, v1;
	v5 =	vmin.f32 v60, v16  }
0xa4: {  	v11 =	vnsel vm12, s28, v11;
	vm13 =	vgt.f32 v5, v17;
	v16 =	vmax.f32 v5, v17  }
0xa5: {  	v5 =	vmin.f32 v5, v17;
	v17 =	vsel vm13, v11, v7;
	v7 =	vsel vm13, v7, v11  }
0xa6: {  	vm14 =	vgt.f32 v5, v9;
	v11 =	vmax.f32 v5, v9;
	v5 =	vmin.f32 v5, v9  }
0xa7: {  	v9 =	vsel vm14, v7, v15;
	v7 =	vsel vm14, v15, v7;
	vm15 =	vgt.f32 v5, v8  }
0xa8: {  	v15 =	vmax.f32 v5, v8;
	v5 =	vmin.f32 v5, v8;
	v8 =	vsel vm15, v7, v13  }
0xa9: {  	v7 =	vsel vm15, v13, v7;
	vm4 =	vgt.f32 v5, v14;
	v13 =	vmax.f32 v5, v14  }
0xaa: {  	v5 =	vmin.f32 v5, v14;
	v14 =	vsel vm4, v7, v12;
	v7 =	vsel vm4, v12, v7;
	v12 =	vld [tilespmem:s15+$0x200]  }
0xab: {  	vm5 =	vgt.f32 v5, v10;
	v61 =	vmax.f32 v5, v10;
	v5 =	vmin.f32 v5, v10  }
0xac: {  	v10 =	vsel vm5, v7, v18;
	v7 =	vsel vm5, v18, v7;
	vm6 =	vgt.f32 v5, v19  }
0xad: {  	v18 =	vmax.f32 v5, v19;
	v5 =	vmin.f32 v5, v19;
	v19 =	vsel vm6, v7, v4  }
0xae: {  	v4 =	vsel vm6, v4, v7;
	vm7 =	vgt.f32 v5, v2;
	v2 =	vmax.f32 v5, v2  }
0xaf: {  	s29 =	sadd.s32 $0xFFFFFFFD, s16;
	v1 =	vsel vm7, v4, v1;
	vm8 =	vgt.f32 v12, v3;
	v4 =	vmax.f32 v12, v3  }
0xb0: {  	v3 =	vmin.f32 v12, v3;
	v5 =	vsel vm8, s29, v6;
	v6 =	vnsel vm8, s29, v6  }
0xb1: {  	vm9 =	vgt.f32 v3, v16;
	v7 =	vmax.f32 v3, v16;
	v3 =	vmin.f32 v3, v16  }
0xb2: {  	v12 =	vsel vm9, v6, v17;
	v6 =	vsel vm9, v17, v6;
	vm10 =	vgt.f32 v3, v11  }
0xb3: {  	v16 =	vmax.f32 v3, v11;
	v3 =	vmin.f32 v3, v11;
	v11 =	vsel vm10, v6, v9  }
0xb4: {  	v6 =	vsel vm10, v9, v6;
	vm11 =	vgt.f32 v3, v15;
	v9 =	vmax.f32 v3, v15  }
0xb5: {  	v3 =	vmin.f32 v3, v15;
	v15 =	vsel vm11, v6, v8;
	v6 =	vsel vm11, v8, v6  }
0xb6: {  	vm12 =	vgt.f32 v3, v13;
	v8 =	vmax.f32 v3, v13;
	v3 =	vmin.f32 v3, v13  }
0xb7: {  	v13 =	vsel vm12, v6, v14;
	v6 =	vsel vm12, v14, v6;
	vm13 =	vgt.f32 v3, v61;
	v14 =	vld [tilespmem:s15+$0x280]  }
0xb8: {  	v17 =	vmax.f32 v3, v61;
	v3 =	vmin.f32 v3, v61;
	v62 =	vsel vm13, v6, v10  }
0xb9: {  	v6 =	vsel vm13, v10, v6;
	vm14 =	vgt.f32 v3, v18;
	v10 =	vmin.f32 v3, v18  }
0xba: {  	v3 =	vmax.f32 v3, v18;
	v18 =	vsel vm14, v19, v6;
	vm15 =	vgt.f32 v10, v2  }
0xbb: {  	v6 =	vsel vm14, v6, v19;
	v2 =	vmax.f32 v10, v2;
	v19 =	vld [tilespmem:s15+$0x300];
	v1 =	vsel vm15, v18, v1  }
0xbc: {  	s30 =	sadd.s32 $0xFFFFFFFE, s16;
	vm4 =	vgt.f32 v14, v4;
	v10 =	vmax.f32 v14, v4;
	v4 =	vmin.f32 v14, v4  }
0xbd: {  	v14 =	vsel vm4, s30, v5;
	v5 =	vnsel vm4, s30, v5;
	vm5 =	vgt.f32 v4, v7  }
0xbe: {  	v18 =	vmax.f32 v4, v7;
	v4 =	vmin.f32 v4, v7;
	v7 =	vsel vm5, v5, v12  }
0xbf: {  	v5 =	vsel vm5, v12, v5;
	vm6 =	vgt.f32 v4, v16;
	v12 =	vmax.f32 v4, v16  }
0xc0: {  	v4 =	vmin.f32 v4, v16;
	vm12 =	vgt.f32 v19, v10;
	v21 =	vmax.f32 v19, v10  }
0xc1: {  	v16 =	vsel vm6, v5, v11;
	v5 =	vsel vm6, v11, v5;
	vm7 =	vgt.f32 v4, v9  }
0xc2: {  	v11 =	vmax.f32 v4, v9;
	v4 =	vmin.f32 v4, v9;
	v9 =	vsel vm7, v5, v15  }
0xc3: {  	v5 =	vsel vm7, v15, v5;
	vm8 =	vgt.f32 v4, v8;
	v15 =	vmax.f32 v4, v8  }
0xc4: {  	v4 =	vmin.f32 v4, v8;
	v8 =	vsel vm8, v5, v13;
	v5 =	vsel vm8, v13, v5  }
0xc5: {  	vm9 =	vgt.f32 v4, v17;
	v13 =	vmax.f32 v4, v17;
	v4 =	vmin.f32 v4, v17  }
0xc6: {  	v17 =	vsel vm9, v5, v62;
	v5 =	vsel vm9, v62, v5;
	vm10 =	vgt.f32 v4, v3  }
0xc7: {  	v63 =	vmax.f32 v4, v3;
	v3 =	vmin.f32 v4, v3;
	v4 =	vsel vm10, v5, v6  }
0xc8: {  	s31 =	sadd.s32 $0xFFFFFFFF, s16;
	v5 =	vsel vm10, v6, v5;
	vm11 =	vgt.f32 v3, v2;
	v3 =	vmax.f32 v3, v2  }
0xc9: {  	v2 =	vmin.f32 v19, v10;
	v10 =	vsel vm12, s31, v14;
	v1 =	vsel vm11, v5, v1  }
0xca: {  	v5 =	vnsel vm12, s31, v14;
	vm13 =	vgt.f32 v2, v18;
	v19 =	vmax.f32 v2, v18  }
0xcb: {  	v2 =	vmin.f32 v2, v18;
	v6 =	vsel vm13, v5, v7;
	v5 =	vsel vm13, v7, v5  }
0xcc: {  	vm14 =	vgt.f32 v2, v12;
	v18 =	vmax.f32 v2, v12;
	v2 =	vmin.f32 v2, v12  }
0xcd: {  	v12 =	vsel vm14, v5, v16;
	v5 =	vsel vm14, v16, v5;
	vm15 =	vgt.f32 v2, v11  }
0xce: {  	v14 =	vld [tilespmem:s15+$0x380];
	v22 =	vmax.f32 v2, v11;
	v2 =	vmin.f32 v2, v11;
	v11 =	vsel vm15, v5, v9  }
0xcf: {  	v5 =	vsel vm15, v9, v5;
	vm4 =	vgt.f32 v2, v15;
	v9 =	vmin.f32 v2, v15  }
0xd0: {  	v23 =	vmax.f32 v2, v15;
	v2 =	vsel vm4, v8, v5;
	vm5 =	vgt.f32 v9, v13  }
0xd1: {  	v8 =	vsel vm4, v5, v8;
	v15 =	vmin.f32 v9, v13;
	v9 =	vmax.f32 v9, v13  }
0xd2: {  	v16 =	vsel vm5, v2, v17;
	v2 =	vsel vm5, v17, v2;
	vm6 =	vgt.f32 v15, v63  }
0xd3: {  	v17 =	vmin.f32 v15, v63;
	vm8 =	vgt.f32 v14, v21;
	v26 =	vmin.f32 v14, v21  }
0xd4: {  	v20 =	vmax.f32 v15, v63;
	v14 =	vmax.f32 v14, v21;
	v24 =	vsel vm6, v2, v4  }
0xd5: {  	v2 =	vsel vm6, v4, v2;
	vm7 =	vgt.f32 v17, v3;
	vm9 =	vgt.f32 v26, v19  }
0xd6: {  	v27 =	vmin.f32 v26, v19;
	v3 =	vmax.f32 v17, v3;
	v25 =	vsel vm7, v2, v1  }
0xd7: {  	v1 =	vnsel vm8, s16, v10;
	vm10 =	vgt.f32 v27, v18;
	v13 =	vmin.f32 v27, v18  }
0xd8: {  	v7 =	vsel vm9, v1, v6;
	v1 =	vsel vm9, v6, v1;
	vm11 =	vgt.f32 v13, v22  }
0xd9: {  	v6 =	vsel vm10, v1, v12;
	v1 =	vsel vm10, v12, v1;
	v12 =	vmin.f32 v13, v22  }
0xda: {  	v13 =	vmax.f32 v13, v22;
	v5 =	vsel vm11, v1, v11;
	v1 =	vsel vm11, v11, v1  }
0xdb: {  	vm12 =	vgt.f32 v12, v23;
	v11 =	vmin.f32 v12, v23;
	v12 =	vmax.f32 v12, v23  }
0xdc: {  	p0 =	sne.s32 s16, $0x3F;
	v4 =	vsel vm12, v1, v8;
	v1 =	vsel vm12, v8, v1;
	vm13 =	vgt.f32 v11, v9  }
.Ltmp0:
0xdd: {  	v8 =	vmin.f32 v11, v9;
	v11 =	vmax.f32 v11, v9;
	v9 =	vsel vm8, s16, v10;
	(pc) =	sbr.rel @p0 .LBB2_3-.Ltmp0, $4  }
0xde: {  	v2 =	vsel vm13, v1, v16;
	v15 =	vsel vm13, v16, v1;
	vm14 =	vgt.f32 v8, v20  }
0xdf: {  	v16 =	vmax.f32 v26, v19;
	v17 =	vmin.f32 v8, v20;
	v10 =	vmax.f32 v8, v20  }
0xe0: {  	v1 =	vsel vm14, v15, v24;
	v24 =	vsel vm14, v24, v15;
	vm15 =	vgt.f32 v17, v3  }
0xe1: {  	s15 =	sadd.s32 $0x2000, s15;
	s16 =	sadd.s32 $0x10, s16;
	v15 =	vmax.f32 v27, v18;
	v8 =	vmax.f32 v17, v3;
	v3 =	vsel vm15, v24, v25  }
0xe2: {  	v17 =	vsub.f32 v14, v14  }
0xe3: {  	v16 =	vsub.f32 v16, v14  }
0xe4: {  	v17 =	vmul.f32 $1.442695020e+00, v17  }
0xe5: {  	v15 =	vsub.f32 v15, v14;
	v16 =	vmul.f32 $1.442695020e+00, v16  }
0xe6: {  	(erf) = vpow2.f32 v17  }
0xe7: {  	v13 =	vsub.f32 v13, v14;
	v15 =	vmul.f32 $1.442695020e+00, v15;
	(erf) = vpow2.f32 v16;
	_ =	sdelay $0x1  }
0xe8: {  	v12 =	vsub.f32 v12, v14;
	v13 =	vmul.f32 $1.442695020e+00, v13;
	(erf) = vpow2.f32 v15;
	_ =	sdelay $0x1  }
0xe9: {  	v11 =	vsub.f32 v11, v14;
	v12 =	vmul.f32 $1.442695020e+00, v12;
	(erf) = vpow2.f32 v13;
	_ =	sdelay $0x1  }
0xea: {  	v10 =	vsub.f32 v10, v14;
	v11 =	vmul.f32 $1.442695020e+00, v11;
	(erf) = vpow2.f32 v12;
	_ =	sdelay $0x1  }
0xeb: {  	v8 =	vsub.f32 v8, v14;
	v10 =	vmul.f32 $1.442695020e+00, v10;
	v44 =	vpop (erf);
	(erf) = vpow2.f32 v11  }
0xec: {  	v45 =	vpop (erf)  }
0xed: {  	v8 =	vmul.f32 $1.442695020e+00, v8;
	(erf) = vpow2.f32 v10;
	v46 =	vadd.f32 v45, v44  }
0xee: {  	v47 =	vpop (erf)  }
0xef: {  	(erf) = vpow2.f32 v8;
	v48 =	vadd.f32 v47, v46  }
0xf0: {  	v49 =	vpop (erf)  }
0xf1: {  	v8 =	vadd.f32 v49, v48  }
0xf2: {  	v50 =	vpop (erf)  }
0xf3: {  	v8 =	vadd.f32 v50, v8  }
0xf4: {  	v51 =	vpop (erf)  }
0xf5: {  	v8 =	vadd.f32 v51, v8  }
0xf6: {  	v52 =	vpop (erf)  }
0xf7: {  	v8 =	vadd.f32 v52, v8  }
0xf8: {  	v53 =	vpop (erf)  }
0xf9: {  	v8 =	vadd.f32 v53, v8;
	_ =	sdelay $0x1  }
0xfa: {  	(erf) = vrcp.f32 v8;
	_ =	sdelay $0x4  }
0xfb: {  	v54 =	vmov s14  }
0xfc: {  	v8 =	vshll.u32 v54, $0x3  }
0xfd: {  	v8 =	vor.u32 v0, v8;
	_ =	sdelay $0x1  }
0xfe: {  	v19 =	vor.u32 $0x1, v8;
	v18 =	vpop (erf)  }
0xff: {  	v12 =	vmul.f32 v18, v44  }
0x100: {  	v20 =	vor.u32 $0x2, v8  }
0x101: {  	v11 =	vmul.f32 v18, v45;
	[tilespmem:v8+s8+$0x0] =	vst.idx.msk $0xffff, v12  }
0x102: {  	v55 =	vor.u32 $0x3, v8;
	[tilespmem:v8+s9+$0x0] =	vst.idx.msk $0xffff, v9  }
0x103: {  	v56 =	vmul.f32 v18, v47;
	[tilespmem:v19+s8+$0x0] =	vst.idx.msk $0xffff, v11  }
0x104: {  	v57 =	vor.u32 $0x4, v8;
	[tilespmem:v19+s9+$0x0] =	vst.idx.msk $0xffff, v7  }
0x105: {  	v10 =	vmul.f32 v18, v49;
	[tilespmem:v20+s8+$0x0] =	vst.idx.msk $0xffff, v56  }
0x106: {  	v58 =	vor.u32 $0x5, v8;
	[tilespmem:v20+s9+$0x0] =	vst.idx.msk $0xffff, v6  }
0x107: {  	v59 =	vmul.f32 v18, v50;
	[tilespmem:v55+s8+$0x0] =	vst.idx.msk $0xffff, v10  }
0x108: {  	v60 =	vor.u32 $0x6, v8;
	[tilespmem:v55+s9+$0x0] =	vst.idx.msk $0xffff, v5  }
0x109: {  	v61 =	vmul.f32 v18, v51;
	[tilespmem:v57+s8+$0x0] =	vst.idx.msk $0xffff, v59  }
0x10a: {  	s13 =	sadd.s32 $0x1, s13;
	v62 =	vor.u32 $0x7, v8;
	[tilespmem:v57+s9+$0x0] =	vst.idx.msk $0xffff, v4  }
0x10b: {  	p0 =	sne.s32 s13, $0x20;
	v63 =	vmul.f32 v18, v52;
	[tilespmem:v58+s8+$0x0] =	vst.idx.msk $0xffff, v61  }
.Ltmp1:
0x10c: {  	[tilespmem:v58+s9+$0x0] =	vst.idx.msk $0xffff, v2;
	(pc) =	sbr.rel @p0 .LBB2_2-.Ltmp1, $4  }
0x10d: {  	v2 =	vmul.f32 v18, v53;
	[tilespmem:v60+s8+$0x0] =	vst.idx.msk $0xffff, v63  }
0x10e: {  	[tilespmem:v60+s9+$0x0] =	vst.idx.msk $0xffff, v1  }
0x10f: {  	[tilespmem:v62+s8+$0x0] =	vst.idx.msk $0xffff, v2  }
0x110: {  	s12 =	sadd.s32 $0x80, s12;
	s11 =	sadd.s32 $0x1, s11;
	[tilespmem:v62+s9+$0x0] =	vst.idx.msk $0xffff, v3  }
0x111: {  	[hbm4b:s4+s2] =	stream.linear.scatter [tilespmem:s9], [sflag:$0x1], $0x1000, $0x38;
	[tilespmem:$0xA000] =	vst v63  }
0x112: {  	s10 =	sadd.s32 $0x1, s10;
	_ =	swait.ge [sflag:s7], $0x1000  }
0x113: {  	p0 =	sne.s32 s10, s6;
	[sflag:s7] =	ssyncset.done $0x0  }
.Ltmp2:
0x114: {  	[sflag:s7] =	ssyncadd.s32 $0xFFFFF000;
	(pc) =	sbr.rel @p0 .LBB2_1-.Ltmp2, $4  }
0x115: {  	[hbm4b:s5+s2] =	stream.linear.scatter [tilespmem:s8], [sflag:$0x1], $0x1000, $0x38;
	[tilespmem:$0xA000] =	vst v63  }
0x116: {  	_ =	swait.ge [sflag:s7], $0x1000  }
0x117: {  	[sflag:s7] =	ssyncset.done $0x0  }
0x118: {  	[sflag:s7] =	ssyncadd.s32 $0xFFFFF000  }
0x119: {  	_ =	sfence.sel $0x180000  }
0x11a: {  	[bflag:$0x0] =	sbarrier.arrive $0xFFFF  }
0x11b: {  	p0 =	sne.s32 s1, $0x0;
	_ =	strace $0x90000047  }
0x11c: {  	s0 =	sadd.s32 @!p0 $0x100000, s0;
	[bflag:$0x2] =	sbarrier.arrive $0xFFFF  }
0x11d: {  	[sflag:s0] =	ssyncadd.tile.s32 @!p0 $0x1;
	_ =	shalt  }
.Lfunc_end2:
_tile_overlayer_lowered:
.L_overlay_start_2:
0x11e: {  	(tag) =	ssettag $0x2  }
0x11f: {  	s0 =	rddreg [dreg:$0x0];
	s2 =	stileid.u32  }
0x120: {  	s1 =	rddreg [dreg:$0x1];
	p0 =	sne.s32 s2, $0x0  }
0x121: {  	s3 =	rddreg [dreg:$0x2];
	[bflag:$0x3] =	sbarrier.arrive $0xFFFF;
	s2 =	simm.s32 @!p0 $0x1C01  }
0x122: {  	[timem:s3], [sflag:s2] =	dma.local @!p0 [hbm:s0], s1  }
0x123: {  	s0 =	simm.s32 @!p0 $0x1  }
0x124: {  	_ =	swait.ge @!p0 [sflag:s0], s1  }
0x125: {  	s1 =	ssub.s32 @!p0 $0x0, s1;
	[sflag:s0] =	ssyncset.done @!p0 $0x0  }
0x126: {  	[sflag:s0] =	ssyncadd.s32 @!p0 s1  }
0x127: {  	[bflag:$0x3] =	sbarrier.arrive $0xFFFF  }
0x128: {  	_ =	shalt  }

</sc_bundles>
